<compile_context>
chip_gen: v7x
topology: tpu7x:2x2x1
jax: 0.10.2.dev20260603
libtpu: 0.0.44.dev20260713+nightly
codegen_flags: <defaults>
</compile_context>

<pallas_src>
import jax
import jax.numpy as jnp
from jax import lax
from jax.experimental import pallas as pl
from jax.experimental.pallas import tpu as pltpu
from jax.experimental.pallas import tpu_sc as plsc

N_NODES = 10000
N_EDGES = 320000
D = 128
NC = 2
NS = 16
NW = NC * NS
EPW = N_EDGES // NW
B = 80
NCHUNK = EPW // B
NPAD = 10240
RPT = NPAD // NS


def _sc_aggregate(feat, src3d, dst3d):
    mesh = plsc.VectorSubcoreMesh(
        core_axis_name="c", subcore_axis_name="s",
        num_cores=NC, num_subcores=NS)

    def body(feat_hbm, src_hbm, dst_hbm, acc_out, cnt_out,
             src_v, dst_v, rows_v, ones_v, zc_v,
             acc_sh, cnt_sh, gsem, csem):
        cid = lax.axis_index("c")
        sid = lax.axis_index("s")
        wid = sid * NC + cid

        zv = jnp.zeros((16,), jnp.float32)
        ov = jnp.ones((16,), jnp.float32)

        def zrow_loop(i, carry):
            def zcol(k, c2):
                rows_v[0, i, pl.ds(k * 16, 16)] = zv
                return c2
            return lax.fori_loop(0, D // 16, zcol, carry)
        lax.fori_loop(0, B, zrow_loop, 0)

        def zc_loop(i, carry):
            zc_v[pl.ds(i * 16, 16)] = zv
            return carry
        lax.fori_loop(0, RPT // 16, zc_loop, 0)

        def o_loop(i, carry):
            ones_v[pl.ds(i * 16, 16)] = ov
            return carry
        lax.fori_loop(0, B // 16, o_loop, 0)

        base = sid * RPT
        pltpu.async_copy(src_hbm.at[wid], src_v, gsem)
        pltpu.async_copy(dst_hbm.at[wid], dst_v, gsem)
        for r in range(RPT // B):
            pltpu.async_copy(rows_v.at[0], acc_sh.at[pl.ds(base + r * B, B)], csem)
        pltpu.async_copy(zc_v, cnt_sh.at[pl.ds(base, RPT)], csem)
        pltpu.make_async_copy(src_hbm.at[wid], src_v, gsem).wait()
        pltpu.make_async_copy(dst_hbm.at[wid], dst_v, gsem).wait()
        for r in range(RPT // B):
            pltpu.make_async_copy(
                rows_v.at[0], acc_sh.at[pl.ds(base, B)], csem).wait()
        pltpu.make_async_copy(zc_v, cnt_sh.at[pl.ds(base, RPT)], csem).wait()

        plsc.subcore_barrier()

        pltpu.async_copy(feat_hbm.at[src_v.at[0]], rows_v.at[0], gsem)

        def chunk(j, carry):
            slot = lax.rem(j, 2)
            pltpu.make_async_copy(
                acc_sh.at[pl.ds(0, B)], rows_v.at[slot], gsem).wait()

            @pl.when(j + 1 < NCHUNK)
            def _():
                pltpu.async_copy(feat_hbm.at[src_v.at[j + 1]],
                                 rows_v.at[1 - slot], gsem)
            pltpu.sync_copy(rows_v.at[slot], acc_sh.at[dst_v.at[j]], add=True)
            pltpu.async_copy(ones_v, cnt_sh.at[dst_v.at[j]], csem, add=True)
            return carry
        lax.fori_loop(0, NCHUNK, chunk, 0)

        def drain(i, carry):
            pltpu.make_async_copy(
                ones_v, cnt_sh.at[pl.ds(0, B)], csem).wait()
            return carry
        lax.fori_loop(0, NCHUNK, drain, 0)

        plsc.subcore_barrier()

        pltpu.async_copy(acc_sh.at[pl.ds(base, RPT)],
                         acc_out.at[cid].at[pl.ds(base, RPT)], gsem)
        pltpu.async_copy(cnt_sh.at[pl.ds(base, RPT)],
                         cnt_out.at[cid].at[pl.ds(base, RPT)], csem)
        pltpu.make_async_copy(acc_sh.at[pl.ds(base, RPT)],
                              acc_out.at[cid].at[pl.ds(base, RPT)], gsem).wait()
        pltpu.make_async_copy(cnt_sh.at[pl.ds(base, RPT)],
                              cnt_out.at[cid].at[pl.ds(base, RPT)], csem).wait()

    run = pl.kernel(
        body,
        out_type=(jax.ShapeDtypeStruct((NC, NPAD, D), jnp.float32),
                  jax.ShapeDtypeStruct((NC, NPAD), jnp.float32)),
        mesh=mesh,
        compiler_params=pltpu.CompilerParams(use_tc_tiling_on_sc=False),
        scratch_types=(
            pltpu.VMEM((NCHUNK, B), jnp.int32),
            pltpu.VMEM((NCHUNK, B), jnp.int32),
            pltpu.VMEM((2, B, D), jnp.float32),
            pltpu.VMEM((B,), jnp.float32),
            pltpu.VMEM((RPT,), jnp.float32),
            pltpu.VMEM_SHARED((NPAD, D), jnp.float32),
            pltpu.VMEM_SHARED((NPAD,), jnp.float32),
            pltpu.SemaphoreType.DMA,
            pltpu.SemaphoreType.DMA,
        ),
    )
    return run(feat, src3d, dst3d)


def _tc_finish(feat, acc, cnt, wt):
    R = 2000

    def body(feat_ref, acc_ref, cnt_ref, wt_ref, out_ref):
        agg = acc_ref[0] + acc_ref[1]
        c = cnt_ref[0] + cnt_ref[1]
        hn = jnp.where(c > 0.0, agg / jnp.maximum(c, 1.0), 0.0)
        x = (feat_ref[...] + hn) * 0.5
        out_ref[...] = jnp.maximum(
            jnp.dot(x, wt_ref[...], preferred_element_type=jnp.float32), 0.0)

    return pl.pallas_call(
        body,
        grid=(N_NODES // R,),
        in_specs=[
            pl.BlockSpec((R, D), lambda i: (i, 0)),
            pl.BlockSpec((NC, R, D), lambda i: (0, i, 0)),
            pl.BlockSpec((NC, R, 1), lambda i: (0, i, 0)),
            pl.BlockSpec((D, D), lambda i: (0, 0)),
        ],
        out_specs=pl.BlockSpec((R, D), lambda i: (i, 0)),
        out_shape=jax.ShapeDtypeStruct((N_NODES, D), jnp.float32),
    )(feat, acc, cnt, wt)


def kernel(feat, edge_index, W):
    src3d = edge_index[0].reshape(NW, NCHUNK, B)
    dst3d = edge_index[1].reshape(NW, NCHUNK, B)
    acc, cnt = _sc_aggregate(feat, src3d, dst3d)
    return _tc_finish(feat, acc, cnt.reshape(NC, NPAD, 1), W.T)

# --- scband reference (transcript-rebuilt; emitter-appended) ---
"""Pipeline reference for scband-lplayer-single-46402826666668 (READ-ONLY COPY).

The authoritative reference and input builder live on the scoring server;
editing this copy changes nothing except your own understanding.
"""

import jax, jax.numpy as jnp
import numpy as np

N_NODES = 10000
N_EDGES = 320000
D_IN = 128
D_OUT = 128


def setup_inputs(seed: int = 0) -> dict:
    key = jax.random.key(seed)
    k1, k2, k3 = jax.random.split(key, 3)
    feat = jax.random.normal(k1, (N_NODES, D_IN), dtype=jnp.float32)
    edge_index = jax.random.randint(k2, (2, N_EDGES), 0, N_NODES, dtype=jnp.int32)
    # fc weight, xavier_uniform with relu gain
    gain = float(np.sqrt(2.0))
    bound = gain * float(np.sqrt(6.0 / (D_IN + D_OUT)))
    W = jax.random.uniform(k3, (D_OUT, D_IN), dtype=jnp.float32, minval=-bound, maxval=bound)
    return {"feat": feat, "edge_index": edge_index, "W": W}


def reference(feat, edge_index, W):
    # neigh_compute: mean of source-node features over incoming edges per dst node
    src = edge_index[0]
    dst = edge_index[1]
    msg = jnp.take(feat, src, axis=0)                      # gather [E, D_IN]
    agg = jax.ops.segment_sum(msg, dst, num_segments=N_NODES)
    cnt = jax.ops.segment_sum(jnp.ones((msg.shape[0], 1), dtype=feat.dtype), dst, num_segments=N_NODES)
    h_neigh = jnp.where(cnt > 0, agg / jnp.maximum(cnt, 1.0), 0.0)
    # self_loop=False branch: fc((feat + h_neigh) / 2)
    h = ((feat + h_neigh) / 2.0) @ W.T                     # Linear, bias=False
    return jax.nn.relu(h)                                  # activation=F.relu

if __name__ == "__main__":
    import jax
    _d = setup_inputs()
    print(jax.jit(kernel)(*tuple(_d.values())))

</pallas_src>

<mosaic_0001>
#map = affine_map<(d0, d1) -> (0, 0)>
#map1 = affine_map<(d0, d1) -> (0, 0, 0)>
module attributes {stable_mosaic.version = 14 : i64} {
  func.func @body(%arg0: i32, %arg1: i32, %arg2: memref<10000x128xf32, #tpu.memory_space<hbm>>, %arg3: memref<32x125x80xi32, #tpu.memory_space<hbm>>, %arg4: memref<32x125x80xi32, #tpu.memory_space<hbm>>, %arg5: memref<2x10240x128xf32, #tpu.memory_space<hbm>>, %arg6: memref<2x10240xf32, #tpu.memory_space<hbm>>, %arg7: memref<125x80xi32, #tpu.memory_space<vmem>>, %arg8: memref<125x80xi32, #tpu.memory_space<vmem>>, %arg9: memref<2x80x128xf32, #tpu.memory_space<vmem>>, %arg10: memref<80xf32, #tpu.memory_space<vmem>>, %arg11: memref<640xf32, #tpu.memory_space<vmem>>, %arg12: memref<10240x128xf32, #tpu.memory_space<vmem_shared>>, %arg13: memref<10240xf32, #tpu.memory_space<vmem_shared>>, %arg14: memref<!tpu.dma_semaphore, #tpu.memory_space<semaphore_mem>>, %arg15: memref<!tpu.dma_semaphore, #tpu.memory_space<semaphore_mem>>) attributes {dimension_semantics = [#tpu.dimension_semantics<core_parallel>, #tpu.dimension_semantics<subcore_parallel>], iteration_bounds = array<i64: 2, 16>, scalar_prefetch = 0 : i64, scratch_operands = 9 : i64, tpu.core_type = #tpu.core_type<sc_vector_subcore>, window_params = [{transform_indices = #map}, {transform_indices = #map1}, {transform_indices = #map1}, {transform_indices = #map1}, {transform_indices = #map}]} {
    %mul3A = arith.constant 2 : i32
    %mul3A_0 = arith.muli %arg1, %mul3A : i32
    %add3A = arith.addi %mul3A_0, %arg0 : i32
    %broadcast_in_dim3A = arith.constant 0.000000e+00 : f32
    %broadcast_in_dim3A_1 = vector.broadcast %broadcast_in_dim3A : f32 to vector<16xf32>
    %broadcast_in_dim3A_2 = arith.constant 1.000000e+00 : f32
    %broadcast_in_dim3A_3 = vector.broadcast %broadcast_in_dim3A_2 : f32 to vector<16xf32>
    %scan3A = arith.constant 0 : i32
    %scan3A_4 = arith.constant 0 : i32
    %scan3A_5 = arith.constant 80 : i32
    %scan3A_6 = arith.addi %scan3A_4, %scan3A_5 : i32
    %scan3A_7 = arith.constant 1 : i32
    scf.for %scan3A_332 = %scan3A_4 to %scan3A_6 step %scan3A_7  : i32 {
      %scan3A_333 = arith.constant 0 : i32
      %scan3A_334 = arith.constant 8 : i32
      %scan3A_335 = arith.addi %scan3A_333, %scan3A_334 : i32
      %scan3A_336 = arith.constant 1 : i32
      scf.for %scan3A_338 = %scan3A_333 to %scan3A_335 step %scan3A_336  : i32 {
        %mul3A_339 = arith.constant 16 : i32
        %mul3A_340 = arith.muli %scan3A_338, %mul3A_339 : i32
        %swap3A = arith.constant 0 : i32
        %swap3A_341 = arith.index_cast %swap3A : i32 to index
        %swap3A_342 = arith.index_cast %scan3A_332 : i32 to index
        %swap3A_343 = arith.index_cast %mul3A_340 : i32 to index
        %swap3A_344 = tpu.vector_load %arg9[%swap3A_341, %swap3A_342, %swap3A_343] {strides = array<i32>} : memref<2x80x128xf32, #tpu.memory_space<vmem>>, vector<1x1x16xf32>,
        %swap3A_345 = vector.shape_cast %swap3A_344 : vector<1x1x16xf32> to vector<16xf32>
        %swap3A_346 = vector.shape_cast %broadcast_in_dim3A_1 : vector<16xf32> to vector<1x1x16xf32>
        tpu.vector_store %arg9[%swap3A_341, %swap3A_342, %swap3A_343], %swap3A_346 {strides = array<i32>} : memref<2x80x128xf32, #tpu.memory_space<vmem>>, vector<1x1x16xf32>,
      }
      %scan3A_337 = arith.constant 8 : i32
    }
    %scan3A_8 = arith.constant 80 : i32
    %scan3A_9 = arith.constant 0 : i32
    %scan3A_10 = arith.constant 0 : i32
    %scan3A_11 = arith.constant 40 : i32
    %scan3A_12 = arith.addi %scan3A_10, %scan3A_11 : i32
    %scan3A_13 = arith.constant 1 : i32
    scf.for %scan3A_332 = %scan3A_10 to %scan3A_12 step %scan3A_13  : i32 {
      %mul3A_333 = arith.constant 16 : i32
      %mul3A_334 = arith.muli %scan3A_332, %mul3A_333 : i32
      %swap3A = arith.index_cast %mul3A_334 : i32 to index
      %swap3A_335 = tpu.vector_load %arg11[%swap3A] {strides = array<i32>} : memref<640xf32, #tpu.memory_space<vmem>>, vector<16xf32>,
      %swap3A_336 = vector.shape_cast %swap3A_335 : vector<16xf32> to vector<16xf32>
      %swap3A_337 = vector.shape_cast %broadcast_in_dim3A_1 : vector<16xf32> to vector<16xf32>
      tpu.vector_store %arg11[%swap3A], %swap3A_337 {strides = array<i32>} : memref<640xf32, #tpu.memory_space<vmem>>, vector<16xf32>,
    }
    %scan3A_14 = arith.constant 40 : i32
    %scan3A_15 = arith.constant 0 : i32
    %scan3A_16 = arith.constant 0 : i32
    %scan3A_17 = arith.constant 5 : i32
    %scan3A_18 = arith.addi %scan3A_16, %scan3A_17 : i32
    %scan3A_19 = arith.constant 1 : i32
    scf.for %scan3A_332 = %scan3A_16 to %scan3A_18 step %scan3A_19  : i32 {
      %mul3A_333 = arith.constant 16 : i32
      %mul3A_334 = arith.muli %scan3A_332, %mul3A_333 : i32
      %swap3A = arith.index_cast %mul3A_334 : i32 to index
      %swap3A_335 = tpu.vector_load %arg10[%swap3A] {strides = array<i32>} : memref<80xf32, #tpu.memory_space<vmem>>, vector<16xf32>,
      %swap3A_336 = vector.shape_cast %swap3A_335 : vector<16xf32> to vector<16xf32>
      %swap3A_337 = vector.shape_cast %broadcast_in_dim3A_3 : vector<16xf32> to vector<16xf32>
      tpu.vector_store %arg10[%swap3A], %swap3A_337 {strides = array<i32>} : memref<80xf32, #tpu.memory_space<vmem>>, vector<16xf32>,
    }
    %scan3A_20 = arith.constant 5 : i32
    %mul3A_21 = arith.constant 640 : i32
    %mul3A_22 = arith.muli %arg1, %mul3A_21 : i32
    %dma_start3A = arith.constant 0 : i32
    %dma_start3A_23 = arith.constant 0 : i32
    %dma_start3A_24 = tpu.memref_slice %arg3[%add3A, %dma_start3A, %dma_start3A_23] : memref<32x125x80xi32, #tpu.memory_space<hbm>> -> memref<1x125x80xi32, #tpu.memory_space<hbm>>
    %dma_start3A_25 = tpu.memref_squeeze %dma_start3A_24 : memref<1x125x80xi32, #tpu.memory_space<hbm>> -> memref<125x80xi32, #tpu.memory_space<hbm>>
    %dma_start3A_26 = arith.constant 0 : i32
    %dma_start3A_27 = arith.constant 0 : i32
    %dma_start3A_28 = tpu.memref_slice %arg3[%add3A, %dma_start3A_26, %dma_start3A_27] : memref<32x125x80xi32, #tpu.memory_space<hbm>> -> memref<1x125x80xi32, #tpu.memory_space<hbm>>
    %dma_start3A_29 = tpu.memref_squeeze %dma_start3A_28 : memref<1x125x80xi32, #tpu.memory_space<hbm>> -> memref<125x80xi32, #tpu.memory_space<hbm>>
    tpu.enqueue_dma source(%dma_start3A_29 : memref<125x80xi32, #tpu.memory_space<hbm>>) target(%arg7 : memref<125x80xi32, #tpu.memory_space<vmem>>) target_semaphore(%arg14 : memref<!tpu.dma_semaphore, #tpu.memory_space<semaphore_mem>>)
    %dma_start3A_30 = arith.constant 0 : i32
    %dma_start3A_31 = arith.constant 0 : i32
    %dma_start3A_32 = tpu.memref_slice %arg4[%add3A, %dma_start3A_30, %dma_start3A_31] : memref<32x125x80xi32, #tpu.memory_space<hbm>> -> memref<1x125x80xi32, #tpu.memory_space<hbm>>
    %dma_start3A_33 = tpu.memref_squeeze %dma_start3A_32 : memref<1x125x80xi32, #tpu.memory_space<hbm>> -> memref<125x80xi32, #tpu.memory_space<hbm>>
    %dma_start3A_34 = arith.constant 0 : i32
    %dma_start3A_35 = arith.constant 0 : i32
    %dma_start3A_36 = tpu.memref_slice %arg4[%add3A, %dma_start3A_34, %dma_start3A_35] : memref<32x125x80xi32, #tpu.memory_space<hbm>> -> memref<1x125x80xi32, #tpu.memory_space<hbm>>
    %dma_start3A_37 = tpu.memref_squeeze %dma_start3A_36 : memref<1x125x80xi32, #tpu.memory_space<hbm>> -> memref<125x80xi32, #tpu.memory_space<hbm>>
    tpu.enqueue_dma source(%dma_start3A_37 : memref<125x80xi32, #tpu.memory_space<hbm>>) target(%arg8 : memref<125x80xi32, #tpu.memory_space<vmem>>) target_semaphore(%arg14 : memref<!tpu.dma_semaphore, #tpu.memory_space<semaphore_mem>>)
    %add3A_38 = arith.constant 0 : i32
    %add3A_39 = arith.addi %mul3A_22, %add3A_38 : i32
    %dma_start3A_40 = arith.constant 0 : i32
    %dma_start3A_41 = arith.constant 0 : i32
    %dma_start3A_42 = arith.constant 0 : i32
    %dma_start3A_43 = tpu.memref_slice %arg9[%dma_start3A_40, %dma_start3A_41, %dma_start3A_42] : memref<2x80x128xf32, #tpu.memory_space<vmem>> -> memref<1x80x128xf32, #tpu.memory_space<vmem>>
    %dma_start3A_44 = tpu.memref_squeeze %dma_start3A_43 : memref<1x80x128xf32, #tpu.memory_space<vmem>> -> memref<80x128xf32, #tpu.memory_space<vmem>>
    %dma_start3A_45 = arith.constant 0 : i32
    %dma_start3A_46 = tpu.memref_slice %arg12[%add3A_39, %dma_start3A_45] : memref<10240x128xf32, #tpu.memory_space<vmem_shared>> -> memref<80x128xf32, #tpu.memory_space<vmem_shared>>
    %dma_start3A_47 = arith.constant 0 : i32
    %dma_start3A_48 = tpu.memref_slice %arg12[%add3A_39, %dma_start3A_47] : memref<10240x128xf32, #tpu.memory_space<vmem_shared>> -> memref<80x128xf32, #tpu.memory_space<vmem_shared>>
    %dma_start3A_49 = arith.constant 0 : i32
    %dma_start3A_50 = arith.constant 0 : i32
    %dma_start3A_51 = tpu.memref_slice %arg9[%dma_start3A_40, %dma_start3A_49, %dma_start3A_50] : memref<2x80x128xf32, #tpu.memory_space<vmem>> -> memref<1x80x128xf32, #tpu.memory_space<vmem>>
    %dma_start3A_52 = tpu.memref_squeeze %dma_start3A_51 : memref<1x80x128xf32, #tpu.memory_space<vmem>> -> memref<80x128xf32, #tpu.memory_space<vmem>>
    tpu.enqueue_dma source(%dma_start3A_52 : memref<80x128xf32, #tpu.memory_space<vmem>>) target(%dma_start3A_48 : memref<80x128xf32, #tpu.memory_space<vmem_shared>>) target_semaphore(%arg15 : memref<!tpu.dma_semaphore, #tpu.memory_space<semaphore_mem>>)
    %add3A_53 = arith.constant 80 : i32
    %add3A_54 = arith.addi %mul3A_22, %add3A_53 : i32
    %dma_start3A_55 = arith.constant 0 : i32
    %dma_start3A_56 = arith.constant 0 : i32
    %dma_start3A_57 = arith.constant 0 : i32
    %dma_start3A_58 = tpu.memref_slice %arg9[%dma_start3A_55, %dma_start3A_56, %dma_start3A_57] : memref<2x80x128xf32, #tpu.memory_space<vmem>> -> memref<1x80x128xf32, #tpu.memory_space<vmem>>
    %dma_start3A_59 = tpu.memref_squeeze %dma_start3A_58 : memref<1x80x128xf32, #tpu.memory_space<vmem>> -> memref<80x128xf32, #tpu.memory_space<vmem>>
    %dma_start3A_60 = arith.constant 0 : i32
    %dma_start3A_61 = tpu.memref_slice %arg12[%add3A_54, %dma_start3A_60] : memref<10240x128xf32, #tpu.memory_space<vmem_shared>> -> memref<80x128xf32, #tpu.memory_space<vmem_shared>>
    %dma_start3A_62 = arith.constant 0 : i32
    %dma_start3A_63 = tpu.memref_slice %arg12[%add3A_54, %dma_start3A_62] : memref<10240x128xf32, #tpu.memory_space<vmem_shared>> -> memref<80x128xf32, #tpu.memory_space<vmem_shared>>
    %dma_start3A_64 = arith.constant 0 : i32
    %dma_start3A_65 = arith.constant 0 : i32
    %dma_start3A_66 = tpu.memref_slice %arg9[%dma_start3A_55, %dma_start3A_64, %dma_start3A_65] : memref<2x80x128xf32, #tpu.memory_space<vmem>> -> memref<1x80x128xf32, #tpu.memory_space<vmem>>
    %dma_start3A_67 = tpu.memref_squeeze %dma_start3A_66 : memref<1x80x128xf32, #tpu.memory_space<vmem>> -> memref<80x128xf32, #tpu.memory_space<vmem>>
    tpu.enqueue_dma source(%dma_start3A_67 : memref<80x128xf32, #tpu.memory_space<vmem>>) target(%dma_start3A_63 : memref<80x128xf32, #tpu.memory_space<vmem_shared>>) target_semaphore(%arg15 : memref<!tpu.dma_semaphore, #tpu.memory_space<semaphore_mem>>)
    %add3A_68 = arith.constant 160 : i32
    %add3A_69 = arith.addi %mul3A_22, %add3A_68 : i32
    %dma_start3A_70 = arith.constant 0 : i32
    %dma_start3A_71 = arith.constant 0 : i32
    %dma_start3A_72 = arith.constant 0 : i32
    %dma_start3A_73 = tpu.memref_slice %arg9[%dma_start3A_70, %dma_start3A_71, %dma_start3A_72] : memref<2x80x128xf32, #tpu.memory_space<vmem>> -> memref<1x80x128xf32, #tpu.memory_space<vmem>>
    %dma_start3A_74 = tpu.memref_squeeze %dma_start3A_73 : memref<1x80x128xf32, #tpu.memory_space<vmem>> -> memref<80x128xf32, #tpu.memory_space<vmem>>
    %dma_start3A_75 = arith.constant 0 : i32
    %dma_start3A_76 = tpu.memref_slice %arg12[%add3A_69, %dma_start3A_75] : memref<10240x128xf32, #tpu.memory_space<vmem_shared>> -> memref<80x128xf32, #tpu.memory_space<vmem_shared>>
    %dma_start3A_77 = arith.constant 0 : i32
    %dma_start3A_78 = tpu.memref_slice %arg12[%add3A_69, %dma_start3A_77] : memref<10240x128xf32, #tpu.memory_space<vmem_shared>> -> memref<80x128xf32, #tpu.memory_space<vmem_shared>>
    %dma_start3A_79 = arith.constant 0 : i32
    %dma_start3A_80 = arith.constant 0 : i32
    %dma_start3A_81 = tpu.memref_slice %arg9[%dma_start3A_70, %dma_start3A_79, %dma_start3A_80] : memref<2x80x128xf32, #tpu.memory_space<vmem>> -> memref<1x80x128xf32, #tpu.memory_space<vmem>>
    %dma_start3A_82 = tpu.memref_squeeze %dma_start3A_81 : memref<1x80x128xf32, #tpu.memory_space<vmem>> -> memref<80x128xf32, #tpu.memory_space<vmem>>
    tpu.enqueue_dma source(%dma_start3A_82 : memref<80x128xf32, #tpu.memory_space<vmem>>) target(%dma_start3A_78 : memref<80x128xf32, #tpu.memory_space<vmem_shared>>) target_semaphore(%arg15 : memref<!tpu.dma_semaphore, #tpu.memory_space<semaphore_mem>>)
    %add3A_83 = arith.constant 240 : i32
    %add3A_84 = arith.addi %mul3A_22, %add3A_83 : i32
    %dma_start3A_85 = arith.constant 0 : i32
    %dma_start3A_86 = arith.constant 0 : i32
    %dma_start3A_87 = arith.constant 0 : i32
    %dma_start3A_88 = tpu.memref_slice %arg9[%dma_start3A_85, %dma_start3A_86, %dma_start3A_87] : memref<2x80x128xf32, #tpu.memory_space<vmem>> -> memref<1x80x128xf32, #tpu.memory_space<vmem>>
    %dma_start3A_89 = tpu.memref_squeeze %dma_start3A_88 : memref<1x80x128xf32, #tpu.memory_space<vmem>> -> memref<80x128xf32, #tpu.memory_space<vmem>>
    %dma_start3A_90 = arith.constant 0 : i32
    %dma_start3A_91 = tpu.memref_slice %arg12[%add3A_84, %dma_start3A_90] : memref<10240x128xf32, #tpu.memory_space<vmem_shared>> -> memref<80x128xf32, #tpu.memory_space<vmem_shared>>
    %dma_start3A_92 = arith.constant 0 : i32
    %dma_start3A_93 = tpu.memref_slice %arg12[%add3A_84, %dma_start3A_92] : memref<10240x128xf32, #tpu.memory_space<vmem_shared>> -> memref<80x128xf32, #tpu.memory_space<vmem_shared>>
    %dma_start3A_94 = arith.constant 0 : i32
    %dma_start3A_95 = arith.constant 0 : i32
    %dma_start3A_96 = tpu.memref_slice %arg9[%dma_start3A_85, %dma_start3A_94, %dma_start3A_95] : memref<2x80x128xf32, #tpu.memory_space<vmem>> -> memref<1x80x128xf32, #tpu.memory_space<vmem>>
    %dma_start3A_97 = tpu.memref_squeeze %dma_start3A_96 : memref<1x80x128xf32, #tpu.memory_space<vmem>> -> memref<80x128xf32, #tpu.memory_space<vmem>>
    tpu.enqueue_dma source(%dma_start3A_97 : memref<80x128xf32, #tpu.memory_space<vmem>>) target(%dma_start3A_93 : memref<80x128xf32, #tpu.memory_space<vmem_shared>>) target_semaphore(%arg15 : memref<!tpu.dma_semaphore, #tpu.memory_space<semaphore_mem>>)
    %add3A_98 = arith.constant 320 : i32
    %add3A_99 = arith.addi %mul3A_22, %add3A_98 : i32
    %dma_start3A_100 = arith.constant 0 : i32
    %dma_start3A_101 = arith.constant 0 : i32
    %dma_start3A_102 = arith.constant 0 : i32
    %dma_start3A_103 = tpu.memref_slice %arg9[%dma_start3A_100, %dma_start3A_101, %dma_start3A_102] : memref<2x80x128xf32, #tpu.memory_space<vmem>> -> memref<1x80x128xf32, #tpu.memory_space<vmem>>
    %dma_start3A_104 = tpu.memref_squeeze %dma_start3A_103 : memref<1x80x128xf32, #tpu.memory_space<vmem>> -> memref<80x128xf32, #tpu.memory_space<vmem>>
    %dma_start3A_105 = arith.constant 0 : i32
    %dma_start3A_106 = tpu.memref_slice %arg12[%add3A_99, %dma_start3A_105] : memref<10240x128xf32, #tpu.memory_space<vmem_shared>> -> memref<80x128xf32, #tpu.memory_space<vmem_shared>>
    %dma_start3A_107 = arith.constant 0 : i32
    %dma_start3A_108 = tpu.memref_slice %arg12[%add3A_99, %dma_start3A_107] : memref<10240x128xf32, #tpu.memory_space<vmem_shared>> -> memref<80x128xf32, #tpu.memory_space<vmem_shared>>
    %dma_start3A_109 = arith.constant 0 : i32
    %dma_start3A_110 = arith.constant 0 : i32
    %dma_start3A_111 = tpu.memref_slice %arg9[%dma_start3A_100, %dma_start3A_109, %dma_start3A_110] : memref<2x80x128xf32, #tpu.memory_space<vmem>> -> memref<1x80x128xf32, #tpu.memory_space<vmem>>
    %dma_start3A_112 = tpu.memref_squeeze %dma_start3A_111 : memref<1x80x128xf32, #tpu.memory_space<vmem>> -> memref<80x128xf32, #tpu.memory_space<vmem>>
    tpu.enqueue_dma source(%dma_start3A_112 : memref<80x128xf32, #tpu.memory_space<vmem>>) target(%dma_start3A_108 : memref<80x128xf32, #tpu.memory_space<vmem_shared>>) target_semaphore(%arg15 : memref<!tpu.dma_semaphore, #tpu.memory_space<semaphore_mem>>)
    %add3A_113 = arith.constant 400 : i32
    %add3A_114 = arith.addi %mul3A_22, %add3A_113 : i32
    %dma_start3A_115 = arith.constant 0 : i32
    %dma_start3A_116 = arith.constant 0 : i32
    %dma_start3A_117 = arith.constant 0 : i32
    %dma_start3A_118 = tpu.memref_slice %arg9[%dma_start3A_115, %dma_start3A_116, %dma_start3A_117] : memref<2x80x128xf32, #tpu.memory_space<vmem>> -> memref<1x80x128xf32, #tpu.memory_space<vmem>>
    %dma_start3A_119 = tpu.memref_squeeze %dma_start3A_118 : memref<1x80x128xf32, #tpu.memory_space<vmem>> -> memref<80x128xf32, #tpu.memory_space<vmem>>
    %dma_start3A_120 = arith.constant 0 : i32
    %dma_start3A_121 = tpu.memref_slice %arg12[%add3A_114, %dma_start3A_120] : memref<10240x128xf32, #tpu.memory_space<vmem_shared>> -> memref<80x128xf32, #tpu.memory_space<vmem_shared>>
    %dma_start3A_122 = arith.constant 0 : i32
    %dma_start3A_123 = tpu.memref_slice %arg12[%add3A_114, %dma_start3A_122] : memref<10240x128xf32, #tpu.memory_space<vmem_shared>> -> memref<80x128xf32, #tpu.memory_space<vmem_shared>>
    %dma_start3A_124 = arith.constant 0 : i32
    %dma_start3A_125 = arith.constant 0 : i32
    %dma_start3A_126 = tpu.memref_slice %arg9[%dma_start3A_115, %dma_start3A_124, %dma_start3A_125] : memref<2x80x128xf32, #tpu.memory_space<vmem>> -> memref<1x80x128xf32, #tpu.memory_space<vmem>>
    %dma_start3A_127 = tpu.memref_squeeze %dma_start3A_126 : memref<1x80x128xf32, #tpu.memory_space<vmem>> -> memref<80x128xf32, #tpu.memory_space<vmem>>
    tpu.enqueue_dma source(%dma_start3A_127 : memref<80x128xf32, #tpu.memory_space<vmem>>) target(%dma_start3A_123 : memref<80x128xf32, #tpu.memory_space<vmem_shared>>) target_semaphore(%arg15 : memref<!tpu.dma_semaphore, #tpu.memory_space<semaphore_mem>>)
    %add3A_128 = arith.constant 480 : i32
    %add3A_129 = arith.addi %mul3A_22, %add3A_128 : i32
    %dma_start3A_130 = arith.constant 0 : i32
    %dma_start3A_131 = arith.constant 0 : i32
    %dma_start3A_132 = arith.constant 0 : i32
    %dma_start3A_133 = tpu.memref_slice %arg9[%dma_start3A_130, %dma_start3A_131, %dma_start3A_132] : memref<2x80x128xf32, #tpu.memory_space<vmem>> -> memref<1x80x128xf32, #tpu.memory_space<vmem>>
    %dma_start3A_134 = tpu.memref_squeeze %dma_start3A_133 : memref<1x80x128xf32, #tpu.memory_space<vmem>> -> memref<80x128xf32, #tpu.memory_space<vmem>>
    %dma_start3A_135 = arith.constant 0 : i32
    %dma_start3A_136 = tpu.memref_slice %arg12[%add3A_129, %dma_start3A_135] : memref<10240x128xf32, #tpu.memory_space<vmem_shared>> -> memref<80x128xf32, #tpu.memory_space<vmem_shared>>
    %dma_start3A_137 = arith.constant 0 : i32
    %dma_start3A_138 = tpu.memref_slice %arg12[%add3A_129, %dma_start3A_137] : memref<10240x128xf32, #tpu.memory_space<vmem_shared>> -> memref<80x128xf32, #tpu.memory_space<vmem_shared>>
    %dma_start3A_139 = arith.constant 0 : i32
    %dma_start3A_140 = arith.constant 0 : i32
    %dma_start3A_141 = tpu.memref_slice %arg9[%dma_start3A_130, %dma_start3A_139, %dma_start3A_140] : memref<2x80x128xf32, #tpu.memory_space<vmem>> -> memref<1x80x128xf32, #tpu.memory_space<vmem>>
    %dma_start3A_142 = tpu.memref_squeeze %dma_start3A_141 : memref<1x80x128xf32, #tpu.memory_space<vmem>> -> memref<80x128xf32, #tpu.memory_space<vmem>>
    tpu.enqueue_dma source(%dma_start3A_142 : memref<80x128xf32, #tpu.memory_space<vmem>>) target(%dma_start3A_138 : memref<80x128xf32, #tpu.memory_space<vmem_shared>>) target_semaphore(%arg15 : memref<!tpu.dma_semaphore, #tpu.memory_space<semaphore_mem>>)
    %add3A_143 = arith.constant 560 : i32
    %add3A_144 = arith.addi %mul3A_22, %add3A_143 : i32
    %dma_start3A_145 = arith.constant 0 : i32
    %dma_start3A_146 = arith.constant 0 : i32
    %dma_start3A_147 = arith.constant 0 : i32
    %dma_start3A_148 = tpu.memref_slice %arg9[%dma_start3A_145, %dma_start3A_146, %dma_start3A_147] : memref<2x80x128xf32, #tpu.memory_space<vmem>> -> memref<1x80x128xf32, #tpu.memory_space<vmem>>
    %dma_start3A_149 = tpu.memref_squeeze %dma_start3A_148 : memref<1x80x128xf32, #tpu.memory_space<vmem>> -> memref<80x128xf32, #tpu.memory_space<vmem>>
    %dma_start3A_150 = arith.constant 0 : i32
    %dma_start3A_151 = tpu.memref_slice %arg12[%add3A_144, %dma_start3A_150] : memref<10240x128xf32, #tpu.memory_space<vmem_shared>> -> memref<80x128xf32, #tpu.memory_space<vmem_shared>>
    %dma_start3A_152 = arith.constant 0 : i32
    %dma_start3A_153 = tpu.memref_slice %arg12[%add3A_144, %dma_start3A_152] : memref<10240x128xf32, #tpu.memory_space<vmem_shared>> -> memref<80x128xf32, #tpu.memory_space<vmem_shared>>
    %dma_start3A_154 = arith.constant 0 : i32
    %dma_start3A_155 = arith.constant 0 : i32
    %dma_start3A_156 = tpu.memref_slice %arg9[%dma_start3A_145, %dma_start3A_154, %dma_start3A_155] : memref<2x80x128xf32, #tpu.memory_space<vmem>> -> memref<1x80x128xf32, #tpu.memory_space<vmem>>
    %dma_start3A_157 = tpu.memref_squeeze %dma_start3A_156 : memref<1x80x128xf32, #tpu.memory_space<vmem>> -> memref<80x128xf32, #tpu.memory_space<vmem>>
    tpu.enqueue_dma source(%dma_start3A_157 : memref<80x128xf32, #tpu.memory_space<vmem>>) target(%dma_start3A_153 : memref<80x128xf32, #tpu.memory_space<vmem_shared>>) target_semaphore(%arg15 : memref<!tpu.dma_semaphore, #tpu.memory_space<semaphore_mem>>)
    %dma_start3A_158 = tpu.memref_slice %arg13[%mul3A_22] : memref<10240xf32, #tpu.memory_space<vmem_shared>> -> memref<640xf32, #tpu.memory_space<vmem_shared>>
    %dma_start3A_159 = tpu.memref_slice %arg13[%mul3A_22] : memref<10240xf32, #tpu.memory_space<vmem_shared>> -> memref<640xf32, #tpu.memory_space<vmem_shared>>
    tpu.enqueue_dma source(%arg11 : memref<640xf32, #tpu.memory_space<vmem>>) target(%dma_start3A_159 : memref<640xf32, #tpu.memory_space<vmem_shared>>) target_semaphore(%arg15 : memref<!tpu.dma_semaphore, #tpu.memory_space<semaphore_mem>>)
    %dma_wait3A = arith.constant 0 : i32
    %dma_wait3A_160 = arith.constant 0 : i32
    %dma_wait3A_161 = tpu.memref_slice %arg3[%add3A, %dma_wait3A, %dma_wait3A_160] : memref<32x125x80xi32, #tpu.memory_space<hbm>> -> memref<1x125x80xi32, #tpu.memory_space<hbm>>
    %dma_wait3A_162 = tpu.memref_squeeze %dma_wait3A_161 : memref<1x125x80xi32, #tpu.memory_space<hbm>> -> memref<125x80xi32, #tpu.memory_space<hbm>>
    %dma_wait3A_163 = arith.constant 0 : i32
    %dma_wait3A_164 = arith.constant 0 : i32
    %dma_wait3A_165 = tpu.memref_slice %arg3[%add3A, %dma_wait3A_163, %dma_wait3A_164] : memref<32x125x80xi32, #tpu.memory_space<hbm>> -> memref<1x125x80xi32, #tpu.memory_space<hbm>>
    %dma_wait3A_166 = tpu.memref_squeeze %dma_wait3A_165 : memref<1x125x80xi32, #tpu.memory_space<hbm>> -> memref<125x80xi32, #tpu.memory_space<hbm>>
    tpu.wait_dma2 semaphore(%arg14 : memref<!tpu.dma_semaphore, #tpu.memory_space<semaphore_mem>>) src(%dma_wait3A_166 : memref<125x80xi32, #tpu.memory_space<hbm>>) dst(%arg7 : memref<125x80xi32, #tpu.memory_space<vmem>>)
    %dma_wait3A_167 = arith.constant 0 : i32
    %dma_wait3A_168 = arith.constant 0 : i32
    %dma_wait3A_169 = tpu.memref_slice %arg4[%add3A, %dma_wait3A_167, %dma_wait3A_168] : memref<32x125x80xi32, #tpu.memory_space<hbm>> -> memref<1x125x80xi32, #tpu.memory_space<hbm>>
    %dma_wait3A_170 = tpu.memref_squeeze %dma_wait3A_169 : memref<1x125x80xi32, #tpu.memory_space<hbm>> -> memref<125x80xi32, #tpu.memory_space<hbm>>
    %dma_wait3A_171 = arith.constant 0 : i32
    %dma_wait3A_172 = arith.constant 0 : i32
    %dma_wait3A_173 = tpu.memref_slice %arg4[%add3A, %dma_wait3A_171, %dma_wait3A_172] : memref<32x125x80xi32, #tpu.memory_space<hbm>> -> memref<1x125x80xi32, #tpu.memory_space<hbm>>
    %dma_wait3A_174 = tpu.memref_squeeze %dma_wait3A_173 : memref<1x125x80xi32, #tpu.memory_space<hbm>> -> memref<125x80xi32, #tpu.memory_space<hbm>>
    tpu.wait_dma2 semaphore(%arg14 : memref<!tpu.dma_semaphore, #tpu.memory_space<semaphore_mem>>) src(%dma_wait3A_174 : memref<125x80xi32, #tpu.memory_space<hbm>>) dst(%arg8 : memref<125x80xi32, #tpu.memory_space<vmem>>)
    %dma_wait3A_175 = arith.constant 0 : i32
    %dma_wait3A_176 = arith.constant 0 : i32
    %dma_wait3A_177 = arith.constant 0 : i32
    %dma_wait3A_178 = tpu.memref_slice %arg9[%dma_wait3A_175, %dma_wait3A_176, %dma_wait3A_177] : memref<2x80x128xf32, #tpu.memory_space<vmem>> -> memref<1x80x128xf32, #tpu.memory_space<vmem>>
    %dma_wait3A_179 = tpu.memref_squeeze %dma_wait3A_178 : memref<1x80x128xf32, #tpu.memory_space<vmem>> -> memref<80x128xf32, #tpu.memory_space<vmem>>
    %dma_wait3A_180 = arith.constant 0 : i32
    %dma_wait3A_181 = tpu.memref_slice %arg12[%mul3A_22, %dma_wait3A_180] : memref<10240x128xf32, #tpu.memory_space<vmem_shared>> -> memref<80x128xf32, #tpu.memory_space<vmem_shared>>
    %dma_wait3A_182 = arith.constant 0 : i32
    %dma_wait3A_183 = tpu.memref_slice %arg12[%mul3A_22, %dma_wait3A_182] : memref<10240x128xf32, #tpu.memory_space<vmem_shared>> -> memref<80x128xf32, #tpu.memory_space<vmem_shared>>
    %dma_wait3A_184 = arith.constant 0 : i32
    %dma_wait3A_185 = arith.constant 0 : i32
    %dma_wait3A_186 = tpu.memref_slice %arg9[%dma_wait3A_175, %dma_wait3A_184, %dma_wait3A_185] : memref<2x80x128xf32, #tpu.memory_space<vmem>> -> memref<1x80x128xf32, #tpu.memory_space<vmem>>
    %dma_wait3A_187 = tpu.memref_squeeze %dma_wait3A_186 : memref<1x80x128xf32, #tpu.memory_space<vmem>> -> memref<80x128xf32, #tpu.memory_space<vmem>>
    tpu.wait_dma2 semaphore(%arg15 : memref<!tpu.dma_semaphore, #tpu.memory_space<semaphore_mem>>) src(%dma_wait3A_187 : memref<80x128xf32, #tpu.memory_space<vmem>>) dst(%dma_wait3A_183 : memref<80x128xf32, #tpu.memory_space<vmem_shared>>)
    %dma_wait3A_188 = arith.constant 0 : i32
    %dma_wait3A_189 = arith.constant 0 : i32
    %dma_wait3A_190 = arith.constant 0 : i32
    %dma_wait3A_191 = tpu.memref_slice %arg9[%dma_wait3A_188, %dma_wait3A_189, %dma_wait3A_190] : memref<2x80x128xf32, #tpu.memory_space<vmem>> -> memref<1x80x128xf32, #tpu.memory_space<vmem>>
    %dma_wait3A_192 = tpu.memref_squeeze %dma_wait3A_191 : memref<1x80x128xf32, #tpu.memory_space<vmem>> -> memref<80x128xf32, #tpu.memory_space<vmem>>
    %dma_wait3A_193 = arith.constant 0 : i32
    %dma_wait3A_194 = tpu.memref_slice %arg12[%mul3A_22, %dma_wait3A_193] : memref<10240x128xf32, #tpu.memory_space<vmem_shared>> -> memref<80x128xf32, #tpu.memory_space<vmem_shared>>
    %dma_wait3A_195 = arith.constant 0 : i32
    %dma_wait3A_196 = tpu.memref_slice %arg12[%mul3A_22, %dma_wait3A_195] : memref<10240x128xf32, #tpu.memory_space<vmem_shared>> -> memref<80x128xf32, #tpu.memory_space<vmem_shared>>
    %dma_wait3A_197 = arith.constant 0 : i32
    %dma_wait3A_198 = arith.constant 0 : i32
    %dma_wait3A_199 = tpu.memref_slice %arg9[%dma_wait3A_188, %dma_wait3A_197, %dma_wait3A_198] : memref<2x80x128xf32, #tpu.memory_space<vmem>> -> memref<1x80x128xf32, #tpu.memory_space<vmem>>
    %dma_wait3A_200 = tpu.memref_squeeze %dma_wait3A_199 : memref<1x80x128xf32, #tpu.memory_space<vmem>> -> memref<80x128xf32, #tpu.memory_space<vmem>>
    tpu.wait_dma2 semaphore(%arg15 : memref<!tpu.dma_semaphore, #tpu.memory_space<semaphore_mem>>) src(%dma_wait3A_200 : memref<80x128xf32, #tpu.memory_space<vmem>>) dst(%dma_wait3A_196 : memref<80x128xf32, #tpu.memory_space<vmem_shared>>)
    %dma_wait3A_201 = arith.constant 0 : i32
    %dma_wait3A_202 = arith.constant 0 : i32
    %dma_wait3A_203 = arith.constant 0 : i32
    %dma_wait3A_204 = tpu.memref_slice %arg9[%dma_wait3A_201, %dma_wait3A_202, %dma_wait3A_203] : memref<2x80x128xf32, #tpu.memory_space<vmem>> -> memref<1x80x128xf32, #tpu.memory_space<vmem>>
    %dma_wait3A_205 = tpu.memref_squeeze %dma_wait3A_204 : memref<1x80x128xf32, #tpu.memory_space<vmem>> -> memref<80x128xf32, #tpu.memory_space<vmem>>
    %dma_wait3A_206 = arith.constant 0 : i32
    %dma_wait3A_207 = tpu.memref_slice %arg12[%mul3A_22, %dma_wait3A_206] : memref<10240x128xf32, #tpu.memory_space<vmem_shared>> -> memref<80x128xf32, #tpu.memory_space<vmem_shared>>
    %dma_wait3A_208 = arith.constant 0 : i32
    %dma_wait3A_209 = tpu.memref_slice %arg12[%mul3A_22, %dma_wait3A_208] : memref<10240x128xf32, #tpu.memory_space<vmem_shared>> -> memref<80x128xf32, #tpu.memory_space<vmem_shared>>
    %dma_wait3A_210 = arith.constant 0 : i32
    %dma_wait3A_211 = arith.constant 0 : i32
    %dma_wait3A_212 = tpu.memref_slice %arg9[%dma_wait3A_201, %dma_wait3A_210, %dma_wait3A_211] : memref<2x80x128xf32, #tpu.memory_space<vmem>> -> memref<1x80x128xf32, #tpu.memory_space<vmem>>
    %dma_wait3A_213 = tpu.memref_squeeze %dma_wait3A_212 : memref<1x80x128xf32, #tpu.memory_space<vmem>> -> memref<80x128xf32, #tpu.memory_space<vmem>>
    tpu.wait_dma2 semaphore(%arg15 : memref<!tpu.dma_semaphore, #tpu.memory_space<semaphore_mem>>) src(%dma_wait3A_213 : memref<80x128xf32, #tpu.memory_space<vmem>>) dst(%dma_wait3A_209 : memref<80x128xf32, #tpu.memory_space<vmem_shared>>)
    %dma_wait3A_214 = arith.constant 0 : i32
    %dma_wait3A_215 = arith.constant 0 : i32
    %dma_wait3A_216 = arith.constant 0 : i32
    %dma_wait3A_217 = tpu.memref_slice %arg9[%dma_wait3A_214, %dma_wait3A_215, %dma_wait3A_216] : memref<2x80x128xf32, #tpu.memory_space<vmem>> -> memref<1x80x128xf32, #tpu.memory_space<vmem>>
    %dma_wait3A_218 = tpu.memref_squeeze %dma_wait3A_217 : memref<1x80x128xf32, #tpu.memory_space<vmem>> -> memref<80x128xf32, #tpu.memory_space<vmem>>
    %dma_wait3A_219 = arith.constant 0 : i32
    %dma_wait3A_220 = tpu.memref_slice %arg12[%mul3A_22, %dma_wait3A_219] : memref<10240x128xf32, #tpu.memory_space<vmem_shared>> -> memref<80x128xf32, #tpu.memory_space<vmem_shared>>
    %dma_wait3A_221 = arith.constant 0 : i32
    %dma_wait3A_222 = tpu.memref_slice %arg12[%mul3A_22, %dma_wait3A_221] : memref<10240x128xf32, #tpu.memory_space<vmem_shared>> -> memref<80x128xf32, #tpu.memory_space<vmem_shared>>
    %dma_wait3A_223 = arith.constant 0 : i32
    %dma_wait3A_224 = arith.constant 0 : i32
    %dma_wait3A_225 = tpu.memref_slice %arg9[%dma_wait3A_214, %dma_wait3A_223, %dma_wait3A_224] : memref<2x80x128xf32, #tpu.memory_space<vmem>> -> memref<1x80x128xf32, #tpu.memory_space<vmem>>
    %dma_wait3A_226 = tpu.memref_squeeze %dma_wait3A_225 : memref<1x80x128xf32, #tpu.memory_space<vmem>> -> memref<80x128xf32, #tpu.memory_space<vmem>>
    tpu.wait_dma2 semaphore(%arg15 : memref<!tpu.dma_semaphore, #tpu.memory_space<semaphore_mem>>) src(%dma_wait3A_226 : memref<80x128xf32, #tpu.memory_space<vmem>>) dst(%dma_wait3A_222 : memref<80x128xf32, #tpu.memory_space<vmem_shared>>)
    %dma_wait3A_227 = arith.constant 0 : i32
    %dma_wait3A_228 = arith.constant 0 : i32
    %dma_wait3A_229 = arith.constant 0 : i32
    %dma_wait3A_230 = tpu.memref_slice %arg9[%dma_wait3A_227, %dma_wait3A_228, %dma_wait3A_229] : memref<2x80x128xf32, #tpu.memory_space<vmem>> -> memref<1x80x128xf32, #tpu.memory_space<vmem>>
    %dma_wait3A_231 = tpu.memref_squeeze %dma_wait3A_230 : memref<1x80x128xf32, #tpu.memory_space<vmem>> -> memref<80x128xf32, #tpu.memory_space<vmem>>
    %dma_wait3A_232 = arith.constant 0 : i32
    %dma_wait3A_233 = tpu.memref_slice %arg12[%mul3A_22, %dma_wait3A_232] : memref<10240x128xf32, #tpu.memory_space<vmem_shared>> -> memref<80x128xf32, #tpu.memory_space<vmem_shared>>
    %dma_wait3A_234 = arith.constant 0 : i32
    %dma_wait3A_235 = tpu.memref_slice %arg12[%mul3A_22, %dma_wait3A_234] : memref<10240x128xf32, #tpu.memory_space<vmem_shared>> -> memref<80x128xf32, #tpu.memory_space<vmem_shared>>
    %dma_wait3A_236 = arith.constant 0 : i32
    %dma_wait3A_237 = arith.constant 0 : i32
    %dma_wait3A_238 = tpu.memref_slice %arg9[%dma_wait3A_227, %dma_wait3A_236, %dma_wait3A_237] : memref<2x80x128xf32, #tpu.memory_space<vmem>> -> memref<1x80x128xf32, #tpu.memory_space<vmem>>
    %dma_wait3A_239 = tpu.memref_squeeze %dma_wait3A_238 : memref<1x80x128xf32, #tpu.memory_space<vmem>> -> memref<80x128xf32, #tpu.memory_space<vmem>>
    tpu.wait_dma2 semaphore(%arg15 : memref<!tpu.dma_semaphore, #tpu.memory_space<semaphore_mem>>) src(%dma_wait3A_239 : memref<80x128xf32, #tpu.memory_space<vmem>>) dst(%dma_wait3A_235 : memref<80x128xf32, #tpu.memory_space<vmem_shared>>)
    %dma_wait3A_240 = arith.constant 0 : i32
    %dma_wait3A_241 = arith.constant 0 : i32
    %dma_wait3A_242 = arith.constant 0 : i32
    %dma_wait3A_243 = tpu.memref_slice %arg9[%dma_wait3A_240, %dma_wait3A_241, %dma_wait3A_242] : memref<2x80x128xf32, #tpu.memory_space<vmem>> -> memref<1x80x128xf32, #tpu.memory_space<vmem>>
    %dma_wait3A_244 = tpu.memref_squeeze %dma_wait3A_243 : memref<1x80x128xf32, #tpu.memory_space<vmem>> -> memref<80x128xf32, #tpu.memory_space<vmem>>
    %dma_wait3A_245 = arith.constant 0 : i32
    %dma_wait3A_246 = tpu.memref_slice %arg12[%mul3A_22, %dma_wait3A_245] : memref<10240x128xf32, #tpu.memory_space<vmem_shared>> -> memref<80x128xf32, #tpu.memory_space<vmem_shared>>
    %dma_wait3A_247 = arith.constant 0 : i32
    %dma_wait3A_248 = tpu.memref_slice %arg12[%mul3A_22, %dma_wait3A_247] : memref<10240x128xf32, #tpu.memory_space<vmem_shared>> -> memref<80x128xf32, #tpu.memory_space<vmem_shared>>
    %dma_wait3A_249 = arith.constant 0 : i32
    %dma_wait3A_250 = arith.constant 0 : i32
    %dma_wait3A_251 = tpu.memref_slice %arg9[%dma_wait3A_240, %dma_wait3A_249, %dma_wait3A_250] : memref<2x80x128xf32, #tpu.memory_space<vmem>> -> memref<1x80x128xf32, #tpu.memory_space<vmem>>
    %dma_wait3A_252 = tpu.memref_squeeze %dma_wait3A_251 : memref<1x80x128xf32, #tpu.memory_space<vmem>> -> memref<80x128xf32, #tpu.memory_space<vmem>>
    tpu.wait_dma2 semaphore(%arg15 : memref<!tpu.dma_semaphore, #tpu.memory_space<semaphore_mem>>) src(%dma_wait3A_252 : memref<80x128xf32, #tpu.memory_space<vmem>>) dst(%dma_wait3A_248 : memref<80x128xf32, #tpu.memory_space<vmem_shared>>)
    %dma_wait3A_253 = arith.constant 0 : i32
    %dma_wait3A_254 = arith.constant 0 : i32
    %dma_wait3A_255 = arith.constant 0 : i32
    %dma_wait3A_256 = tpu.memref_slice %arg9[%dma_wait3A_253, %dma_wait3A_254, %dma_wait3A_255] : memref<2x80x128xf32, #tpu.memory_space<vmem>> -> memref<1x80x128xf32, #tpu.memory_space<vmem>>
    %dma_wait3A_257 = tpu.memref_squeeze %dma_wait3A_256 : memref<1x80x128xf32, #tpu.memory_space<vmem>> -> memref<80x128xf32, #tpu.memory_space<vmem>>
    %dma_wait3A_258 = arith.constant 0 : i32
    %dma_wait3A_259 = tpu.memref_slice %arg12[%mul3A_22, %dma_wait3A_258] : memref<10240x128xf32, #tpu.memory_space<vmem_shared>> -> memref<80x128xf32, #tpu.memory_space<vmem_shared>>
    %dma_wait3A_260 = arith.constant 0 : i32
    %dma_wait3A_261 = tpu.memref_slice %arg12[%mul3A_22, %dma_wait3A_260] : memref<10240x128xf32, #tpu.memory_space<vmem_shared>> -> memref<80x128xf32, #tpu.memory_space<vmem_shared>>
    %dma_wait3A_262 = arith.constant 0 : i32
    %dma_wait3A_263 = arith.constant 0 : i32
    %dma_wait3A_264 = tpu.memref_slice %arg9[%dma_wait3A_253, %dma_wait3A_262, %dma_wait3A_263] : memref<2x80x128xf32, #tpu.memory_space<vmem>> -> memref<1x80x128xf32, #tpu.memory_space<vmem>>
    %dma_wait3A_265 = tpu.memref_squeeze %dma_wait3A_264 : memref<1x80x128xf32, #tpu.memory_space<vmem>> -> memref<80x128xf32, #tpu.memory_space<vmem>>
    tpu.wait_dma2 semaphore(%arg15 : memref<!tpu.dma_semaphore, #tpu.memory_space<semaphore_mem>>) src(%dma_wait3A_265 : memref<80x128xf32, #tpu.memory_space<vmem>>) dst(%dma_wait3A_261 : memref<80x128xf32, #tpu.memory_space<vmem_shared>>)
    %dma_wait3A_266 = arith.constant 0 : i32
    %dma_wait3A_267 = arith.constant 0 : i32
    %dma_wait3A_268 = arith.constant 0 : i32
    %dma_wait3A_269 = tpu.memref_slice %arg9[%dma_wait3A_266, %dma_wait3A_267, %dma_wait3A_268] : memref<2x80x128xf32, #tpu.memory_space<vmem>> -> memref<1x80x128xf32, #tpu.memory_space<vmem>>
    %dma_wait3A_270 = tpu.memref_squeeze %dma_wait3A_269 : memref<1x80x128xf32, #tpu.memory_space<vmem>> -> memref<80x128xf32, #tpu.memory_space<vmem>>
    %dma_wait3A_271 = arith.constant 0 : i32
    %dma_wait3A_272 = tpu.memref_slice %arg12[%mul3A_22, %dma_wait3A_271] : memref<10240x128xf32, #tpu.memory_space<vmem_shared>> -> memref<80x128xf32, #tpu.memory_space<vmem_shared>>
    %dma_wait3A_273 = arith.constant 0 : i32
    %dma_wait3A_274 = tpu.memref_slice %arg12[%mul3A_22, %dma_wait3A_273] : memref<10240x128xf32, #tpu.memory_space<vmem_shared>> -> memref<80x128xf32, #tpu.memory_space<vmem_shared>>
    %dma_wait3A_275 = arith.constant 0 : i32
    %dma_wait3A_276 = arith.constant 0 : i32
    %dma_wait3A_277 = tpu.memref_slice %arg9[%dma_wait3A_266, %dma_wait3A_275, %dma_wait3A_276] : memref<2x80x128xf32, #tpu.memory_space<vmem>> -> memref<1x80x128xf32, #tpu.memory_space<vmem>>
    %dma_wait3A_278 = tpu.memref_squeeze %dma_wait3A_277 : memref<1x80x128xf32, #tpu.memory_space<vmem>> -> memref<80x128xf32, #tpu.memory_space<vmem>>
    tpu.wait_dma2 semaphore(%arg15 : memref<!tpu.dma_semaphore, #tpu.memory_space<semaphore_mem>>) src(%dma_wait3A_278 : memref<80x128xf32, #tpu.memory_space<vmem>>) dst(%dma_wait3A_274 : memref<80x128xf32, #tpu.memory_space<vmem_shared>>)
    %dma_wait3A_279 = tpu.memref_slice %arg13[%mul3A_22] : memref<10240xf32, #tpu.memory_space<vmem_shared>> -> memref<640xf32, #tpu.memory_space<vmem_shared>>
    %dma_wait3A_280 = tpu.memref_slice %arg13[%mul3A_22] : memref<10240xf32, #tpu.memory_space<vmem_shared>> -> memref<640xf32, #tpu.memory_space<vmem_shared>>
    tpu.wait_dma2 semaphore(%arg15 : memref<!tpu.dma_semaphore, #tpu.memory_space<semaphore_mem>>) src(%arg11 : memref<640xf32, #tpu.memory_space<vmem>>) dst(%dma_wait3A_280 : memref<640xf32, #tpu.memory_space<vmem_shared>>)
    %barrier3A = arith.constant 0 : index
    tpu.barrier barrier_id(%barrier3A)
    %dma_start3A_281 = arith.constant 0 : i32
    %dma_start3A_282 = arith.constant 0 : i32
    %dma_start3A_283 = arith.constant 0 : i32
    %dma_start3A_284 = arith.constant 0 : i32
    %dma_start3A_285 = tpu.memref_slice %arg9[%dma_start3A_282, %dma_start3A_283, %dma_start3A_284] : memref<2x80x128xf32, #tpu.memory_space<vmem>> -> memref<1x80x128xf32, #tpu.memory_space<vmem>>
    %dma_start3A_286 = tpu.memref_squeeze %dma_start3A_285 : memref<1x80x128xf32, #tpu.memory_space<vmem>> -> memref<80x128xf32, #tpu.memory_space<vmem>>
    %dma_start3A_287 = arith.constant 0 : i32
    %dma_start3A_288 = tpu.memref_slice %arg7[%dma_start3A_281, %dma_start3A_287] : memref<125x80xi32, #tpu.memory_space<vmem>> -> memref<1x80xi32, #tpu.memory_space<vmem>>
    %dma_start3A_289 = tpu.memref_squeeze %dma_start3A_288 : memref<1x80xi32, #tpu.memory_space<vmem>> -> memref<80xi32, #tpu.memory_space<vmem>>
    %dma_start3A_290 = arith.constant 0 : i32
    %dma_start3A_291 = arith.constant 0 : i32
    %dma_start3A_292 = tpu.memref_slice %arg2[%dma_start3A_290, %dma_start3A_291] : memref<10000x128xf32, #tpu.memory_space<hbm>> -> memref<10000x128xf32, #tpu.memory_space<hbm>>
    tpu.enqueue_indirect_dma source(%dma_start3A_292 : memref<10000x128xf32, #tpu.memory_space<hbm>>) target(%dma_start3A_286 : memref<80x128xf32, #tpu.memory_space<vmem>>) offsets(%dma_start3A_289 : memref<80xi32, #tpu.memory_space<vmem>>) semaphore(%arg14 : memref<!tpu.dma_semaphore, #tpu.memory_space<semaphore_mem>>)
    %scan3A_293 = arith.constant 0 : i32
    %scan3A_294 = arith.constant 0 : i32
    %scan3A_295 = arith.constant 125 : i32
    %scan3A_296 = arith.addi %scan3A_294, %scan3A_295 : i32
    %scan3A_297 = arith.constant 1 : i32
    scf.for %scan3A_332 = %scan3A_294 to %scan3A_296 step %scan3A_297  : i32 {
      %rem3A = arith.constant 2 : i32
      %rem3A_333 = arith.remsi %scan3A_332, %rem3A : i32
      %dma_wait3A_334 = arith.constant 0 : i32
      %dma_wait3A_335 = arith.constant 0 : i32
      %dma_wait3A_336 = tpu.memref_slice %arg9[%rem3A_333, %dma_wait3A_334, %dma_wait3A_335] : memref<2x80x128xf32, #tpu.memory_space<vmem>> -> memref<1x80x128xf32, #tpu.memory_space<vmem>>
      %dma_wait3A_337 = tpu.memref_squeeze %dma_wait3A_336 : memref<1x80x128xf32, #tpu.memory_space<vmem>> -> memref<80x128xf32, #tpu.memory_space<vmem>>
      %dma_wait3A_338 = arith.constant 0 : i32
      %dma_wait3A_339 = arith.constant 0 : i32
      %dma_wait3A_340 = tpu.memref_slice %arg12[%dma_wait3A_338, %dma_wait3A_339] : memref<10240x128xf32, #tpu.memory_space<vmem_shared>> -> memref<80x128xf32, #tpu.memory_space<vmem_shared>>
      %dma_wait3A_341 = arith.constant 0 : i32
      %dma_wait3A_342 = arith.constant 0 : i32
      %dma_wait3A_343 = tpu.memref_slice %arg9[%rem3A_333, %dma_wait3A_341, %dma_wait3A_342] : memref<2x80x128xf32, #tpu.memory_space<vmem>> -> memref<1x80x128xf32, #tpu.memory_space<vmem>>
      %dma_wait3A_344 = tpu.memref_squeeze %dma_wait3A_343 : memref<1x80x128xf32, #tpu.memory_space<vmem>> -> memref<80x128xf32, #tpu.memory_space<vmem>>
      %dma_wait3A_345 = arith.constant 0 : i32
      %dma_wait3A_346 = arith.constant 0 : i32
      %dma_wait3A_347 = tpu.memref_slice %arg12[%dma_wait3A_345, %dma_wait3A_346] : memref<10240x128xf32, #tpu.memory_space<vmem_shared>> -> memref<80x128xf32, #tpu.memory_space<vmem_shared>>
      tpu.wait_dma2 semaphore(%arg14 : memref<!tpu.dma_semaphore, #tpu.memory_space<semaphore_mem>>) src(%dma_wait3A_347 : memref<80x128xf32, #tpu.memory_space<vmem_shared>>) dst(%dma_wait3A_344 : memref<80x128xf32, #tpu.memory_space<vmem>>)
      %add3A_348 = arith.constant 1 : i32
      %add3A_349 = arith.addi %scan3A_332, %add3A_348 : i32
      %lt3A = arith.constant 125 : i32
      %lt3A_350 = arith.cmpi slt, %add3A_349, %lt3A : i32
      %convert_element_type3A = arith.extui %lt3A_350 : i1 to i32
      %cond3A = arith.constant 0 : i32
      %cond3A_351 = arith.cmpi ne, %convert_element_type3A, %cond3A : i32
      scf.if %cond3A_351 {
        %add3A_357 = arith.constant 1 : i32
        %add3A_358 = arith.addi %scan3A_332, %add3A_357 : i32
        %sub3A = arith.constant 1 : i32
        %sub3A_359 = arith.subi %sub3A, %rem3A_333 : i32
        %dma_start3A_360 = arith.constant 0 : i32
        %dma_start3A_361 = arith.constant 0 : i32
        %dma_start3A_362 = tpu.memref_slice %arg9[%sub3A_359, %dma_start3A_360, %dma_start3A_361] : memref<2x80x128xf32, #tpu.memory_space<vmem>> -> memref<1x80x128xf32, #tpu.memory_space<vmem>>
        %dma_start3A_363 = tpu.memref_squeeze %dma_start3A_362 : memref<1x80x128xf32, #tpu.memory_space<vmem>> -> memref<80x128xf32, #tpu.memory_space<vmem>>
        %dma_start3A_364 = arith.constant 0 : i32
        %dma_start3A_365 = tpu.memref_slice %arg7[%add3A_358, %dma_start3A_364] : memref<125x80xi32, #tpu.memory_space<vmem>> -> memref<1x80xi32, #tpu.memory_space<vmem>>
        %dma_start3A_366 = tpu.memref_squeeze %dma_start3A_365 : memref<1x80xi32, #tpu.memory_space<vmem>> -> memref<80xi32, #tpu.memory_space<vmem>>
        %dma_start3A_367 = arith.constant 0 : i32
        %dma_start3A_368 = arith.constant 0 : i32
        %dma_start3A_369 = tpu.memref_slice %arg2[%dma_start3A_367, %dma_start3A_368] : memref<10000x128xf32, #tpu.memory_space<hbm>> -> memref<10000x128xf32, #tpu.memory_space<hbm>>
        tpu.enqueue_indirect_dma source(%dma_start3A_369 : memref<10000x128xf32, #tpu.memory_space<hbm>>) target(%dma_start3A_363 : memref<80x128xf32, #tpu.memory_space<vmem>>) offsets(%dma_start3A_366 : memref<80xi32, #tpu.memory_space<vmem>>) semaphore(%arg14 : memref<!tpu.dma_semaphore, #tpu.memory_space<semaphore_mem>>)
      } else {
      }
      "tpu.region"() ({
        %run_scoped3A = tpu.sem_alloc : memref<!tpu.dma_semaphore, #tpu.memory_space<semaphore_mem>>
        %dma_start3A_357 = arith.constant 0 : i32
        %dma_start3A_358 = arith.constant 0 : i32
        %dma_start3A_359 = tpu.memref_slice %arg9[%rem3A_333, %dma_start3A_357, %dma_start3A_358] : memref<2x80x128xf32, #tpu.memory_space<vmem>> -> memref<1x80x128xf32, #tpu.memory_space<vmem>>
        %dma_start3A_360 = tpu.memref_squeeze %dma_start3A_359 : memref<1x80x128xf32, #tpu.memory_space<vmem>> -> memref<80x128xf32, #tpu.memory_space<vmem>>
        %dma_start3A_361 = arith.constant 0 : i32
        %dma_start3A_362 = tpu.memref_slice %arg8[%scan3A_332, %dma_start3A_361] : memref<125x80xi32, #tpu.memory_space<vmem>> -> memref<1x80xi32, #tpu.memory_space<vmem>>
        %dma_start3A_363 = tpu.memref_squeeze %dma_start3A_362 : memref<1x80xi32, #tpu.memory_space<vmem>> -> memref<80xi32, #tpu.memory_space<vmem>>
        %dma_start3A_364 = arith.constant 0 : i32
        %dma_start3A_365 = arith.constant 0 : i32
        %dma_start3A_366 = tpu.memref_slice %arg12[%dma_start3A_364, %dma_start3A_365] : memref<10240x128xf32, #tpu.memory_space<vmem_shared>> -> memref<10240x128xf32, #tpu.memory_space<vmem_shared>>
        tpu.enqueue_indirect_dma source(%dma_start3A_360 : memref<80x128xf32, #tpu.memory_space<vmem>>) target(%dma_start3A_366 : memref<10240x128xf32, #tpu.memory_space<vmem_shared>>) offsets(%dma_start3A_363 : memref<80xi32, #tpu.memory_space<vmem>>) semaphore(%run_scoped3A : memref<!tpu.dma_semaphore, #tpu.memory_space<semaphore_mem>>) {add = true}
        %dma_wait3A_367 = arith.constant 0 : i32
        %dma_wait3A_368 = arith.constant 0 : i32
        %dma_wait3A_369 = tpu.memref_slice %arg9[%rem3A_333, %dma_wait3A_367, %dma_wait3A_368] : memref<2x80x128xf32, #tpu.memory_space<vmem>> -> memref<1x80x128xf32, #tpu.memory_space<vmem>>
        %dma_wait3A_370 = tpu.memref_squeeze %dma_wait3A_369 : memref<1x80x128xf32, #tpu.memory_space<vmem>> -> memref<80x128xf32, #tpu.memory_space<vmem>>
        %dma_wait3A_371 = arith.constant 0 : i32
        %dma_wait3A_372 = tpu.memref_slice %arg8[%scan3A_332, %dma_wait3A_371] : memref<125x80xi32, #tpu.memory_space<vmem>> -> memref<1x80xi32, #tpu.memory_space<vmem>>
        %dma_wait3A_373 = tpu.memref_squeeze %dma_wait3A_372 : memref<1x80xi32, #tpu.memory_space<vmem>> -> memref<80xi32, #tpu.memory_space<vmem>>
        %dma_wait3A_374 = arith.constant 0 : i32
        %dma_wait3A_375 = arith.constant 0 : i32
        %dma_wait3A_376 = tpu.memref_slice %arg12[%dma_wait3A_374, %dma_wait3A_375] : memref<10240x128xf32, #tpu.memory_space<vmem_shared>> -> memref<10240x128xf32, #tpu.memory_space<vmem_shared>>
        tpu.wait_indirect_dma semaphore(%run_scoped3A : memref<!tpu.dma_semaphore, #tpu.memory_space<semaphore_mem>>) src(%dma_wait3A_370 : memref<80x128xf32, #tpu.memory_space<vmem>>) dst(%dma_wait3A_376 : memref<10240x128xf32, #tpu.memory_space<vmem_shared>>)
        tpu.yield
      }) : () -> ()
      %dma_start3A_352 = arith.constant 0 : i32
      %dma_start3A_353 = tpu.memref_slice %arg8[%scan3A_332, %dma_start3A_352] : memref<125x80xi32, #tpu.memory_space<vmem>> -> memref<1x80xi32, #tpu.memory_space<vmem>>
      %dma_start3A_354 = tpu.memref_squeeze %dma_start3A_353 : memref<1x80xi32, #tpu.memory_space<vmem>> -> memref<80xi32, #tpu.memory_space<vmem>>
      %dma_start3A_355 = arith.constant 0 : i32
      %dma_start3A_356 = tpu.memref_slice %arg13[%dma_start3A_355] : memref<10240xf32, #tpu.memory_space<vmem_shared>> -> memref<10240xf32, #tpu.memory_space<vmem_shared>>
      tpu.enqueue_indirect_dma source(%arg10 : memref<80xf32, #tpu.memory_space<vmem>>) target(%dma_start3A_356 : memref<10240xf32, #tpu.memory_space<vmem_shared>>) offsets(%dma_start3A_354 : memref<80xi32, #tpu.memory_space<vmem>>) semaphore(%arg15 : memref<!tpu.dma_semaphore, #tpu.memory_space<semaphore_mem>>) {add = true}
    }
    %scan3A_298 = arith.constant 125 : i32
    %scan3A_299 = arith.constant 0 : i32
    %scan3A_300 = arith.constant 0 : i32
    %scan3A_301 = arith.constant 125 : i32
    %scan3A_302 = arith.addi %scan3A_300, %scan3A_301 : i32
    %scan3A_303 = arith.constant 1 : i32
    scf.for %scan3A_332 = %scan3A_300 to %scan3A_302 step %scan3A_303  : i32 {
      %dma_wait3A_333 = arith.constant 0 : i32
      %dma_wait3A_334 = tpu.memref_slice %arg13[%dma_wait3A_333] : memref<10240xf32, #tpu.memory_space<vmem_shared>> -> memref<80xf32, #tpu.memory_space<vmem_shared>>
      %dma_wait3A_335 = arith.constant 0 : i32
      %dma_wait3A_336 = tpu.memref_slice %arg13[%dma_wait3A_335] : memref<10240xf32, #tpu.memory_space<vmem_shared>> -> memref<80xf32, #tpu.memory_space<vmem_shared>>
      tpu.wait_dma2 semaphore(%arg15 : memref<!tpu.dma_semaphore, #tpu.memory_space<semaphore_mem>>) src(%arg10 : memref<80xf32, #tpu.memory_space<vmem>>) dst(%dma_wait3A_336 : memref<80xf32, #tpu.memory_space<vmem_shared>>)
    }
    %scan3A_304 = arith.constant 125 : i32
    %barrier3A_305 = arith.constant 0 : index
    tpu.barrier barrier_id(%barrier3A_305)
    %dma_start3A_306 = arith.constant 0 : i32
    %dma_start3A_307 = arith.constant 0 : i32
    %dma_start3A_308 = tpu.memref_slice %arg5[%arg0, %dma_start3A_306, %dma_start3A_307] : memref<2x10240x128xf32, #tpu.memory_space<hbm>> -> memref<1x10240x128xf32, #tpu.memory_space<hbm>>
    %dma_start3A_309 = tpu.memref_squeeze %dma_start3A_308 : memref<1x10240x128xf32, #tpu.memory_space<hbm>> -> memref<10240x128xf32, #tpu.memory_space<hbm>>
    %dma_start3A_310 = arith.constant 0 : i32
    %dma_start3A_311 = tpu.memref_slice %dma_start3A_309[%mul3A_22, %dma_start3A_310] : memref<10240x128xf32, #tpu.memory_space<hbm>> -> memref<640x128xf32, #tpu.memory_space<hbm>>
    %dma_start3A_312 = arith.constant 0 : i32
    %dma_start3A_313 = tpu.memref_slice %arg12[%mul3A_22, %dma_start3A_312] : memref<10240x128xf32, #tpu.memory_space<vmem_shared>> -> memref<640x128xf32, #tpu.memory_space<vmem_shared>>
    tpu.enqueue_dma source(%dma_start3A_313 : memref<640x128xf32, #tpu.memory_space<vmem_shared>>) target(%dma_start3A_311 : memref<640x128xf32, #tpu.memory_space<hbm>>) target_semaphore(%arg14 : memref<!tpu.dma_semaphore, #tpu.memory_space<semaphore_mem>>)
    %dma_start3A_314 = arith.constant 0 : i32
    %dma_start3A_315 = tpu.memref_slice %arg6[%arg0, %dma_start3A_314] : memref<2x10240xf32, #tpu.memory_space<hbm>> -> memref<1x10240xf32, #tpu.memory_space<hbm>>
    %dma_start3A_316 = tpu.memref_squeeze %dma_start3A_315 : memref<1x10240xf32, #tpu.memory_space<hbm>> -> memref<10240xf32, #tpu.memory_space<hbm>>
    %dma_start3A_317 = tpu.memref_slice %dma_start3A_316[%mul3A_22] : memref<10240xf32, #tpu.memory_space<hbm>> -> memref<640xf32, #tpu.memory_space<hbm>>
    %dma_start3A_318 = tpu.memref_slice %arg13[%mul3A_22] : memref<10240xf32, #tpu.memory_space<vmem_shared>> -> memref<640xf32, #tpu.memory_space<vmem_shared>>
    tpu.enqueue_dma source(%dma_start3A_318 : memref<640xf32, #tpu.memory_space<vmem_shared>>) target(%dma_start3A_317 : memref<640xf32, #tpu.memory_space<hbm>>) target_semaphore(%arg15 : memref<!tpu.dma_semaphore, #tpu.memory_space<semaphore_mem>>)
    %dma_wait3A_319 = arith.constant 0 : i32
    %dma_wait3A_320 = arith.constant 0 : i32
    %dma_wait3A_321 = tpu.memref_slice %arg5[%arg0, %dma_wait3A_319, %dma_wait3A_320] : memref<2x10240x128xf32, #tpu.memory_space<hbm>> -> memref<1x10240x128xf32, #tpu.memory_space<hbm>>
    %dma_wait3A_322 = tpu.memref_squeeze %dma_wait3A_321 : memref<1x10240x128xf32, #tpu.memory_space<hbm>> -> memref<10240x128xf32, #tpu.memory_space<hbm>>
    %dma_wait3A_323 = arith.constant 0 : i32
    %dma_wait3A_324 = tpu.memref_slice %dma_wait3A_322[%mul3A_22, %dma_wait3A_323] : memref<10240x128xf32, #tpu.memory_space<hbm>> -> memref<640x128xf32, #tpu.memory_space<hbm>>
    %dma_wait3A_325 = arith.constant 0 : i32
    %dma_wait3A_326 = tpu.memref_slice %arg12[%mul3A_22, %dma_wait3A_325] : memref<10240x128xf32, #tpu.memory_space<vmem_shared>> -> memref<640x128xf32, #tpu.memory_space<vmem_shared>>
    tpu.wait_dma2 semaphore(%arg14 : memref<!tpu.dma_semaphore, #tpu.memory_space<semaphore_mem>>) src(%dma_wait3A_326 : memref<640x128xf32, #tpu.memory_space<vmem_shared>>) dst(%dma_wait3A_324 : memref<640x128xf32, #tpu.memory_space<hbm>>)
    %dma_wait3A_327 = arith.constant 0 : i32
    %dma_wait3A_328 = tpu.memref_slice %arg6[%arg0, %dma_wait3A_327] : memref<2x10240xf32, #tpu.memory_space<hbm>> -> memref<1x10240xf32, #tpu.memory_space<hbm>>
    %dma_wait3A_329 = tpu.memref_squeeze %dma_wait3A_328 : memref<1x10240xf32, #tpu.memory_space<hbm>> -> memref<10240xf32, #tpu.memory_space<hbm>>
    %dma_wait3A_330 = tpu.memref_slice %dma_wait3A_329[%mul3A_22] : memref<10240xf32, #tpu.memory_space<hbm>> -> memref<640xf32, #tpu.memory_space<hbm>>
    %dma_wait3A_331 = tpu.memref_slice %arg13[%mul3A_22] : memref<10240xf32, #tpu.memory_space<vmem_shared>> -> memref<640xf32, #tpu.memory_space<vmem_shared>>
    tpu.wait_dma2 semaphore(%arg15 : memref<!tpu.dma_semaphore, #tpu.memory_space<semaphore_mem>>) src(%dma_wait3A_331 : memref<640xf32, #tpu.memory_space<vmem_shared>>) dst(%dma_wait3A_330 : memref<640xf32, #tpu.memory_space<hbm>>)
    return
  }
}

module attributes {stable_mosaic.version = 14 : i64} {
  func.func @body(%arg0: i32, %arg1: memref<2000x128xf32, #tpu.memory_space<vmem>>, %arg2: memref<2x2000x128xf32, #tpu.memory_space<vmem>>, %arg3: memref<2x2000x1xf32, #tpu.memory_space<vmem>>, %arg4: memref<128x128xf32, #tpu.memory_space<vmem>>, %arg5: memref<2000x128xf32, #tpu.memory_space<vmem>>) attributes {dimension_semantics = [#tpu.dimension_semantics<arbitrary>], iteration_bounds = array<i64: 5>, scalar_prefetch = 0 : i64, scratch_operands = 0 : i64, tpu.core_type = #tpu.core_type<tc>, window_params = [{transform_indices = @transform_0, window_bounds = array<i64: 2000, 128>}, {transform_indices = @transform_1, window_bounds = array<i64: 2, 2000, 128>}, {transform_indices = @transform_2, window_bounds = array<i64: 2, 2000, 1>}, {pipeline_mode = #tpu.pipeline_mode<synchronous>, transform_indices = @transform_3, window_bounds = array<i64: 128, 128>}, {transform_indices = @transform_4, window_bounds = array<i64: 2000, 128>}]} {
    %get3A = arith.constant 0 : index
    %get3A_0 = arith.constant 0 : index
    %get3A_1 = arith.constant 0 : index
    %get3A_2 = vector.load %arg2[%get3A, %get3A_0, %get3A_1] : memref<2x2000x128xf32, #tpu.memory_space<vmem>>, vector<1x2000x128xf32>
    %get3A_3 = vector.shape_cast %get3A_2 : vector<1x2000x128xf32> to vector<2000x128xf32>
    %get3A_4 = arith.constant 1 : index
    %get3A_5 = arith.constant 0 : index
    %get3A_6 = arith.constant 0 : index
    %get3A_7 = vector.load %arg2[%get3A_4, %get3A_5, %get3A_6] : memref<2x2000x128xf32, #tpu.memory_space<vmem>>, vector<1x2000x128xf32>
    %get3A_8 = vector.shape_cast %get3A_7 : vector<1x2000x128xf32> to vector<2000x128xf32>
    %add3A = arith.addf %get3A_3, %get3A_8 : vector<2000x128xf32>
    %get3A_9 = arith.constant 0 : index
    %get3A_10 = arith.constant 0 : index
    %get3A_11 = arith.constant 0 : index
    %get3A_12 = vector.load %arg3[%get3A_9, %get3A_10, %get3A_11] : memref<2x2000x1xf32, #tpu.memory_space<vmem>>, vector<1x2000x1xf32>
    %get3A_13 = vector.shape_cast %get3A_12 : vector<1x2000x1xf32> to vector<2000x1xf32>
    %get3A_14 = arith.constant 1 : index
    %get3A_15 = arith.constant 0 : index
    %get3A_16 = arith.constant 0 : index
    %get3A_17 = vector.load %arg3[%get3A_14, %get3A_15, %get3A_16] : memref<2x2000x1xf32, #tpu.memory_space<vmem>>, vector<1x2000x1xf32>
    %get3A_18 = vector.shape_cast %get3A_17 : vector<1x2000x1xf32> to vector<2000x1xf32>
    %add3A_19 = arith.addf %get3A_13, %get3A_18 : vector<2000x1xf32>
    %gt3A = arith.constant 0.000000e+00 : f32
    %gt3A_20 = vector.broadcast %gt3A : f32 to vector<2000x1xf32>
    %gt3A_21 = arith.cmpf ogt, %add3A_19, %gt3A_20 : vector<2000x1xf32>
    %max3A = arith.constant 1.000000e+00 : f32
    %max3A_22 = vector.broadcast %max3A : f32 to vector<2000x1xf32>
    %max3A_23 = arith.maximumf %add3A_19, %max3A_22 : vector<2000x1xf32>
    %div3A = vector.broadcast %max3A_23 : vector<2000x1xf32> to vector<2000x128xf32>
    %div3A_24 = arith.divf %add3A, %div3A : vector<2000x128xf32>
    %jit3A = arith.constant 0.000000e+00 : f32
    %broadcast_in_dim3A = vector.shape_cast %gt3A_21 : vector<2000x1xi1> to vector<2000x1xi1>
    %broadcast_in_dim3A_25 = vector.broadcast %broadcast_in_dim3A : vector<2000x1xi1> to vector<2000x128xi1>
    %broadcast_in_dim3A_26 = vector.broadcast %jit3A : f32 to vector<2000x128xf32>
    %select_n3A = arith.select %broadcast_in_dim3A_25, %div3A_24, %broadcast_in_dim3A_26 : vector<2000x128xi1>, vector<2000x128xf32>
    %get3A_27 = arith.constant 0 : index
    %get3A_28 = arith.constant 0 : index
    %get3A_29 = vector.load %arg1[%get3A_27, %get3A_28] : memref<2000x128xf32, #tpu.memory_space<vmem>>, vector<2000x128xf32>
    %add3A_30 = arith.addf %get3A_29, %select_n3A : vector<2000x128xf32>
    %mul3A = arith.constant 5.000000e-01 : f32
    %mul3A_31 = vector.broadcast %mul3A : f32 to vector<2000x128xf32>
    %mul3A_32 = arith.mulf %add3A_30, %mul3A_31 : vector<2000x128xf32>
    %get3A_33 = arith.constant 0 : index
    %get3A_34 = arith.constant 0 : index
    %get3A_35 = vector.load %arg4[%get3A_33, %get3A_34] : memref<128x128xf32, #tpu.memory_space<vmem>>, vector<128x128xf32>
    %dot_general3A = arith.constant dense<0.000000e+00> : vector<2000x128xf32>
    %dot_general3A_36 = tpu.matmul %mul3A_32, %get3A_35, %dot_general3A {dimension_numbers = #tpu.dot_dimension_numbers<[1], [0], [0], [1], [0, 0, 1, 1], [], []>, transpose_lhs_hint = false} : vector<2000x128xf32>, vector<128x128xf32>, vector<2000x128xf32> -> vector<2000x128xf32>
    %max3A_37 = arith.constant 0.000000e+00 : f32
    %max3A_38 = vector.broadcast %max3A_37 : f32 to vector<2000x128xf32>
    %max3A_39 = arith.maximumf %dot_general3A_36, %max3A_38 : vector<2000x128xf32>
    %swap3A = arith.constant 0 : index
    %swap3A_40 = arith.constant 0 : index
    %swap3A_41 = vector.load %arg5[%swap3A, %swap3A_40] : memref<2000x128xf32, #tpu.memory_space<vmem>>, vector<2000x128xf32>
    tpu.vector_store %arg5[%swap3A, %swap3A_40], %max3A_39 {strides = array<i32>} : memref<2000x128xf32, #tpu.memory_space<vmem>>, vector<2000x128xf32>,
    return
  }
  func.func @transform_0(%arg0: i32) -> (i32, i32) {
    %c0_i32 = arith.constant 0 : i32
    %c0_i32_0 = arith.constant 0 : i32
    return %arg0, %c0_i32 : i32, i32
  }
  func.func @transform_1(%arg0: i32) -> (i32, i32, i32) {
    %c0_i32 = arith.constant 0 : i32
    %c0_i32_0 = arith.constant 0 : i32
    %c0_i32_1 = arith.constant 0 : i32
    return %c0_i32, %arg0, %c0_i32_0 : i32, i32, i32
  }
  func.func @transform_2(%arg0: i32) -> (i32, i32, i32) {
    %c0_i32 = arith.constant 0 : i32
    %c0_i32_0 = arith.constant 0 : i32
    %c0_i32_1 = arith.constant 0 : i32
    return %c0_i32, %arg0, %c0_i32_0 : i32, i32, i32
  }
  func.func @transform_3(%arg0: i32) -> (i32, i32) {
    %c0_i32 = arith.constant 0 : i32
    %c0_i32_0 = arith.constant 0 : i32
    %c0_i32_1 = arith.constant 0 : i32
    return %c0_i32, %c0_i32_0 : i32, i32
  }
  func.func @transform_4(%arg0: i32) -> (i32, i32) {
    %c0_i32 = arith.constant 0 : i32
    %c0_i32_0 = arith.constant 0 : i32
    return %arg0, %c0_i32 : i32, i32
  }
}

</mosaic_0001>

<sc_bundles>
// kernel: kernel.4.cloned.1.call-start
scs
__scs_entry_jumppad:
0x0: {  	(pc) =	sbr.rel $0x88, $3  }
0x1: {  	(tag) =	ssettag $0x0;
	lr =	simm.s32 $0x1  }
0x2: {  	[smem:$0x3F9E] =	sst lr;
	_ =	strace $0xD0000000  }
0x3: {  	_ = 	snop  }
0x4: {  	_ = 	snop  }
0x5: {  	_ = 	snop  }
0x6: {  	_ = 	snop  }
0x7: {  	_ = 	snop  }
__scs_overlays_trampoline_lowered:
0x8: {  	[smem:$0x3FAD] =	sst s0  }
0x9: {  	[smem:$0x3FAE] =	sst s1  }
0xa: {  	[smem:$0x3FAF] =	sst s2  }
0xb: {  	[smem:$0x3FB0] =	sst s3  }
0xc: {  	[smem:$0x3FB1] =	sst s4  }
0xd: {  	[smem:$0x3FB2] =	sst s5  }
0xe: {  	[smem:$0x3FB3] =	sst s6  }
0xf: {  	[smem:$0x3FB4] =	sst s7  }
0x10: {  	[smem:$0x3FB5] =	sst s8  }
0x11: {  	[smem:$0x3FB6] =	sst s9;
	s0 =	simm.s32 @!p0 $0x0  }
0x12: {  	s1 =	sld [smem:$0x3F9C];
	s0 =	simm.s32 @p0 $0x1  }
0x13: {  	[smem:$0x3FB7] =	sst s0;
	s0 =	simm.s32 @!p1 $0x0  }
0x14: {  	s2 =	sld [smem:$0x3F9B];
	s0 =	simm.s32 @p1 $0x1  }
0x15: {  	[smem:$0x3FB8] =	sst s0;
	s0 =	simm.s32 @!p2 $0x0  }
0x16: {  	s3 =	sld [smem:$0x3FDB];
	s0 =	simm.s32 @p2 $0x1  }
0x17: {  	s4 =	simm.s32 $0x1BF5;
	[smem:$0x3FBA] =	sst s0  }
0x18: {  	s0 =	sld [smem:$0x3F9D];
	_ =	swait.ge [sflag:s4], $0x0  }
0x19: {  	s7 =	sld [smem:$0x3F9E]  }
0x1a: {  	s8 =	sadd.s32 $0xFFFFE003, lr  }
0x1b: {  	s9 =	sadd.s32 $0xFFFFFEF7, lr;
	s5 =	simm.s32 $0xFFFFFFFF;
	p2 =	slt.u32 s8, $0xFFFFF086  }
0x1c: {  	p1 =	slt.u32 s9, $0xF7A;
	s5 =	simm.s32 @!p2 $0x0  }
0x1d: {  	s5 =	simm.s32 @p1 $0x1;
	p0 =	seq.s32 s7, s2  }
0x1e: {  	s7 =	smul.u32 @!p0 $0xF7A, s2;
	p2 =	seq.s32 @!p0 s5, $0x0  }
0x1f: {  	s9 =	smul.u32 $0xF7A, s1;
	s8 =	simm.s32 @!p0 $0x1BF5;
	p2 =	por !p2, p0  }
0x20: {  	[sflag:s8] =	ssyncset.s32 @!p0 $0xFFFFF086;
	s6 =	sadd.s32 @!p0 s3, s7;
	s7 =	simm.s32 @!p0 $0x108  }
0x21: {  	s3 =	sadd.s32 s3, s9;
	s6 =	sadd.s32 @!p0 $0x88, s6;
	s7 =	simm.s32 @p2 $0x1082  }
0x22: {  	[simem:s7], [sflag:s8] =	dma.local @!p0 [hbm:s6], $0xF7A  }
0x23: {  	s9 =	sor.u32 $0xD0000000, s2;
	s6 =	simm.s32 $0x108;
	_ =	swait.ge @!p0 [sflag:s8], $0x0  }
0x24: {  	s3 =	sadd.s32 $0x88, s3;
	s6 =	simm.s32 @!p1 $0x1082;
	[sflag:s4] =	ssyncset.s32 $0xFFFFF086  }
0x25: {  	[simem:s6], [sflag:s4] =	dma.local [hbm:s3], $0xF7A  }
0x26: {  	[smem:$0x3F9E] =	sst s1;
	(tag) =	ssettag s2;
	_ =	strace s9  }
0x27: {  	s1 =	sld [smem:$0x3FAE]  }
0x28: {  	s2 =	sld [smem:$0x3FAF]  }
0x29: {  	s4 =	sld [smem:$0x3FB1]  }
0x2a: {  	p0 =	seq.s32 s5, $0x0;
	s5 =	sld [smem:$0x3FB2]  }
0x2b: {  	s6 =	sld [smem:$0x3FB3]  }
0x2c: {  	s7 =	sld [smem:$0x3FB4]  }
0x2d: {  	s3 =	simm.s32 $0x108;
	s8 =	sld [smem:$0x3FB5]  }
0x2e: {  	s3 =	simm.s32 @!p0 $0x1082;
	s9 =	sld [smem:$0x3FB6]  }
0x2f: {  	lr =	sadd.s32 s0, s3;
	s0 =	sld [smem:$0x3FAD]  }
0x30: {  	s3 =	sld [smem:$0x3FB0]  }
0x31: {  	[smem:$0x3FB9] =	sst s10  }
0x32: {  	s10 =	sld [smem:$0x3FB7];
	_ =	sdelay $0x3  }
0x33: {  	p0 =	seq.s32 s10, $0x1;
	s10 =	sld [smem:$0x3FB9];
	_ =	sdelay $0x3  }
0x34: {  	[smem:$0x3FB9] =	sst s10  }
0x35: {  	s10 =	sld [smem:$0x3FB8];
	_ =	sdelay $0x3  }
0x36: {  	p1 =	seq.s32 s10, $0x1;
	s10 =	sld [smem:$0x3FB9];
	_ =	sdelay $0x3  }
0x37: {  	[smem:$0x3FB9] =	sst s10  }
0x38: {  	s10 =	sld [smem:$0x3FBA]  }
0x39: {  	_ = 	snop;
	(pc) =	sbr.ind lr, $3  }
0x3a: {  	_ = 	snop  }
0x3b: {  	_ = 	snop  }
0x3c: {  	p2 =	seq.s32 s10, $0x1;
	s10 =	sld [smem:$0x3FB9]  }
0x3d: {  	_ =	shalt  }
0x3e: {  	_ =	shalt  }
0x3f: {  	_ =	shalt  }
0x40: {  	_ =	shalt  }
0x41: {  	_ =	shalt  }
0x42: {  	_ =	shalt  }
0x43: {  	_ =	shalt  }
0x44: {  	_ =	shalt  }
0x45: {  	_ =	shalt  }
0x46: {  	_ =	shalt  }
0x47: {  	_ =	shalt  }
0x48: {  	_ =	shalt  }
0x49: {  	_ =	shalt  }
0x4a: {  	_ =	shalt  }
0x4b: {  	_ =	shalt  }
0x4c: {  	_ =	shalt  }
0x4d: {  	_ =	shalt  }
0x4e: {  	_ =	shalt  }
0x4f: {  	_ =	shalt  }
0x50: {  	_ =	shalt  }
0x51: {  	_ =	shalt  }
0x52: {  	_ =	shalt  }
0x53: {  	_ =	shalt  }
0x54: {  	_ =	shalt  }
0x55: {  	_ =	shalt  }
0x56: {  	_ =	shalt  }
0x57: {  	_ =	shalt  }
0x58: {  	_ =	shalt  }
0x59: {  	_ =	shalt  }
0x5a: {  	_ =	shalt  }
0x5b: {  	_ =	shalt  }
0x5c: {  	_ =	shalt  }
0x5d: {  	_ =	shalt  }
0x5e: {  	_ =	shalt  }
0x5f: {  	_ =	shalt  }
0x60: {  	_ =	shalt  }
0x61: {  	_ =	shalt  }
0x62: {  	_ =	shalt  }
0x63: {  	_ =	shalt  }
0x64: {  	_ =	shalt  }
0x65: {  	_ =	shalt  }
0x66: {  	_ =	shalt  }
0x67: {  	_ =	shalt  }
0x68: {  	_ =	shalt  }
0x69: {  	_ =	shalt  }
0x6a: {  	_ =	shalt  }
0x6b: {  	_ =	shalt  }
0x6c: {  	_ =	shalt  }
0x6d: {  	_ =	shalt  }
0x6e: {  	_ =	shalt  }
0x6f: {  	_ =	shalt  }
0x70: {  	_ =	shalt  }
0x71: {  	_ =	shalt  }
0x72: {  	_ =	shalt  }
0x73: {  	_ =	shalt  }
0x74: {  	_ =	shalt  }
0x75: {  	_ =	shalt  }
0x76: {  	_ =	shalt  }
0x77: {  	_ =	shalt  }
0x78: {  	_ =	shalt  }
0x79: {  	_ =	shalt  }
0x7a: {  	_ =	shalt  }
0x7b: {  	_ =	shalt  }
0x7c: {  	_ =	shalt  }
0x7d: {  	_ =	shalt  }
0x7e: {  	_ =	shalt  }
0x7f: {  	_ =	shalt  }
0x80: {  	_ =	shalt  }
0x81: {  	_ =	shalt  }
0x82: {  	_ =	shalt  }
0x83: {  	_ =	shalt  }
0x84: {  	_ =	shalt  }
0x85: {  	_ =	shalt  }
0x86: {  	_ =	shalt  }
0x87: {  	_ =	shalt  }
.Lfunc_end0:
.L_simem_size_0:
called_computation_lowered:
.L_overlay_start_0:
0x88: {  	s2 =	sld [smem:$0x3FD9]  }
0x89: {  	s3 =	sld [smem:$0x3FFE];
	_ =	sdelay $0x1  }
0x8a: {  	s1 =	srdreg.scid  }
0x8b: {  	s0 =	sand.u32 $0x1, s1  }
0x8c: {  	s17 =	sshll.u32 s0, $0xA;
	s2 =	sadd.s32 s3, s2  }
0x8d: {  	s2 =	sadd.s32 s2, s17  }
0x8e: {  	[smem:$0x3FC5] =	sst s2  }
0x8f: {  	_ = 	snop  }
0x90: {  	s2 =	sld [smem:$0x3FC9]  }
0x91: {  	s18 =	sld [smem:$0x3FD0];
	(tm) =	ssettm $0x1  }
0x92: {  	s4 =	sld [smem:$0x3FFB];
	_ =	sdelay $0x3  }
0x93: {  	_ =	strace s4  }
0x94: {  	s4 =	sld [smem:$0x3FFC];
	_ =	sdelay $0x3  }
0x95: {  	_ =	strace s4  }
0x96: {  	s4 =	sld [smem:$0x3FFD];
	_ =	sdelay $0x3  }
0x97: {  	_ =	strace s4  }
0x98: {  	_ =	strace $0x8FFFFFFF  }
0x99: {  	s19 =	sld [smem:$0x3FDB];
	_ =	sdelay $0x1  }
0x9a: {  	s5 =	simm.s32 $_scs_section_size  }
0x9b: {  	s6 =	simm.s32 $_size__tile_overlayer_lowered;
	s7 =	simm.s32 $_tile_overlayer_lowered  }
0x9c: {  	s22 =	simm.s32 $0x1BFF;
	s21 =	sshll.u32 s7, $0x1;
	s4 =	sadd.s32 s5, s19  }
0x9d: {  	s8 =	simm.s32 $0x0;
	s20 =	sshll.u32 s6, $0x1;
	s6 =	sadd.s32 s21, s4  }
0x9e: {  	[timem:s8], [sflag:s22] =	dma.local [hbm:s6], s20  }
0x9f: {  	_ =	swait.ge [sflag:s22], s20  }
0xa0: {  	s5 =	ssub.s32 $0x0, s20;
	[sflag:s22] =	ssyncset.done $0x0  }
0xa1: {  	[sflag:s22] =	ssyncadd.s32 s5;
	_ =	sdelay $0x1  }
0xa2: {  	s23 =	simm.s32 $0x1B8B  }
0xa3: {  	_ =	swait.ge [sflag:s23], $0x1  }
0xa4: {  	[sflag:s23] =	ssyncset.done $0x0  }
0xa5: {  	s25 =	simm.s32 $0x1B8E;
	s24 =	sld [smem:$0x3FFE];
	[sflag:s23] =	ssyncadd.s32 $0xFFFFFFFF  }
0xa6: {  	s26 =	simm.s32 $execute0_lowered;
	[smem:$0x3FD2] =	sst s25  }
0xa7: {  	s6 =	sshll.u32 s26, $0x1;
	_ =	strace $0x80000046;
	[dreg:$0x1] =	wrdreg $0xFFFFFFFF  }
0xa8: {  	s28 =	simm.s32 $_size_execute0_lowered;
	s4 =	sadd.s32 s4, s6;
	[dreg:$0x0] =	wrdreg $0x0  }
0xa9: {  	s6 =	sshll.u32 s28, $0x1;
	[dreg:$0x2] =	wrdreg s4  }
0xaa: {  	[dreg:$0x3] =	wrdreg s6  }
0xab: {  	[dreg:$0x4] =	wrdreg $0xC0  }
0xac: {  	_ =	task [dreg:s8], $0x5FFFF  }
0xad: {  	[dreg:$0x1] =	wrdreg $0xFFFFFFFF  }
0xae: {  	[dreg:$0x0] =	wrdreg $0x60  }
0xaf: {  	[dreg:$0x2] =	wrdreg s2  }
0xb0: {  	[dreg:$0x3] =	wrdreg s24  }
0xb1: {  	[dreg:$0x4] =	wrdreg s18  }
0xb2: {  	[dreg:$0x5] =	wrdreg $0xA0F00  }
0xb3: {  	[dreg:$0x6] =	wrdreg $0x1E0F00  }
0xb4: {  	[dreg:$0x7] =	wrdreg $0x9  }
0xb5: {  	_ =	task.clear_ibuf [dreg:s8], $0x8FFFF;
	_ =	strace $0x90000046  }
0xb6: {  	s29 =	simm.s32 $0x9;
	_ =	strace $0x80000048  }
0xb7: {  	_ =	swait.ge [sflag:s29], $0x1  }
0xb8: {  	[sflag:s29] =	ssyncadd.s32 $0xFFFFFFFF  }
0xb9: {  	_ =	strace $0x90000048  }
0xba: {  	_ =	sfence  }
0xbb: {  	s30 =	sld [smem:$0x0];
	_ =	sdelay $0x2  }
0xbc: {  	s31 =	sshll.u32 s1, $0xD;
	s1 =	sshrl.u32 s1, $0x2  }
0xbd: {  	s3 =	sand.u32 $0x4000, s31;
	s1 =	sadd.s32 s1, s30  }
0xbe: {  	s0 =	sor.u32 s3, s0;
	s1 =	sshll.u32 s1, $0x11  }
0xbf: {  	s0 =	sor.u32 s1, s0  }
0xc0: {  	s0 =	sadd.s32 $0x8F2B, s0  }
0xc1: {  	[sflag:s0] =	ssyncadd.remote.s32 $0x1  }
0xc2: {  	_ =	sfence.sel $0xFFFF  }
0xc3: {  	[dreg:$0x0] =	wrdreg $0xFFFFFFFF;
	(pc) =	sbr.abs _section_cstart, $3  }
0xc4: {  	[dreg:$0x1] =	wrdreg $0xFFFFFFFF  }
0xc5: {  	_ =	task.clear_ibuf [dreg:s8], $0x2FFFF;
	_ =	strace $0x9FFFFFFF  }
0xc6: {  	(tm) =	ssettm $0x7FFFFFFF  }
0xc7: {  	_ =	shalt  }
tec
execute0_lowered:
.L_overlay_start_1:
0x0: {  	(tag) =	ssettag $0x1  }
0x1: {  	s1 =	rddreg [dreg:$0x0]  }
0x2: {  	s0 =	rddreg [dreg:$0x1]  }
0x3: {  	s2 =	rddreg [dreg:$0x2];
	s11 =	stileid.u32  }
0x4: {  	s4 =	srdreg.scid;
	s25 =	smul.u32 $0x50000, s11  }
0x5: {  	s3 =	rddreg [dreg:$0x3];
	s21 =	simm.s32 $0x2;
	s18 =	smul.u32 $0x280, s11  }
0x6: {  	s23 =	simm.s32 $0x50;
	s6 =	sand.u32 $0x1, s4;
	s20 =	smul.u32 $0x14000, s11  }
0x7: {  	s28 =	simm.s32 $0x4DD0;
	s5 =	sshll.u32 s11, $0x1;
	s8 =	smul.u32 $0x28000, s6  }
0x8: {  	s4 =	rddreg [dreg:$0x4];
	s7 =	sor.u32 s6, s5;
	s10 =	smul.u32 $0x500, s6  }
0x9: {  	s5 =	simm.s32 $0x0;
	s6 =	ssub.s32 $0x2, s6;
	s7 =	smul.u32 $0x4E2, s7  }
0xa: {  	[smem:$0x7FF] =	sst s5;
	s26 =	sshrl.u32 s6, $0x1;
	s16 =	sadd.s32 s18, s4  }
0xb: {  	s22 =	sshrl.u32 s20, $0x3;
	s24 =	sshrl.u32 s18, $0x3;
	s18 =	simm.s32 $0x4E20  }
0xc: {  	_ =	strace $0x80000047;
	s17 =	sadd.s32 s8, s0;
	s19 =	ssub.s32 s6, s26  }
0xd: {  	s8 =	sshrl.u32 s25, $0x2;
	s25 =	simm.s32 $0x3;
	s26 =	simm.s32 $0x9E20  }
0xe: {  	s9 =	sadd.s32 s7, s0;
	s0 =	sadd.s32 s10, s0;
	s2 =	sadd.s32 s2, s7  }
0xf: {  	s30 =	sadd.s32 s8, s3;
	s8 =	sadd.s32 s20, s3;
	s31 =	sadd.s32 $0xB400, s17  }
0x10: {  	s17 =	smax.u32 s19, $0x1;
	s20 =	simm.s32 $0x1;
	s29 =	sadd.s32 $0xC00, s9  }
0x11: {  	[dreg:$0x7] =	wrdreg s2;
	s9 =	sadd.s32 $0x2800, s30;
	s10 =	sadd.s32 $0x5000, s30  }
0x12: {  	s11 =	sadd.s32 $0x7800, s30;
	s12 =	sadd.s32 $0xA000, s30;
	s13 =	sadd.s32 $0xC800, s30  }
0x13: {  	s14 =	sadd.s32 $0xF000, s30;
	s15 =	sadd.s32 $0x11800, s30;
	s0 =	sadd.s32 $0xAA00, s0  }
0x14: {  	v0 =	vimm.f32 $0.0e+00;
	v1 =	vimm.f32 $1.000000000e+00;
	s22 =	sadd.s32 s22, s31;
	[dreg:$0x6] =	wrdreg s29;
	s24 =	sadd.s32 s24, s0  }
.LBB2_1:
0x15: {  	s2 =	simm.s32 $0x70;
	s29 =	simm.s32 $0x3C0  }
.LBB2_2:
0x16: {  	p0 =	sne.s32 s29, $0x9FC0;
	[tilespmem:s2+$0x4E20] =	vst v0  }
0x17: {  	[tilespmem:s2+$0x4DB0] =	vst v0  }
0x18: {  	[tilespmem:s2+$0x4DC0] =	vst v0  }
.Ltmp0:
0x19: {  	[tilespmem:s2+$0x4DD0] =	vst v0;
	(pc) =	sbr.rel @p0 .LBB2_2-.Ltmp0, $4  }
0x1a: {  	[tilespmem:s2+$0x4DE0] =	vst v0  }
0x1b: {  	[tilespmem:s2+$0x4DF0] =	vst v0  }
0x1c: {  	[tilespmem:s2+$0x4E00] =	vst v0  }
0x1d: {  	[tilespmem:s2+$0x4E10] =	vst v0;
	s2 =	sshra.s32 s29, $0x2;
	s29 =	sadd.s32 $0x200, s29  }
0x1e: {  	[tilespmem:s2+$0x4E20] =	vst v0  }
0x1f: {  	[tilespmem:s2+$0x4DB0] =	vst v0  }
0x20: {  	[tilespmem:s2+$0x4DC0] =	vst v0  }
0x21: {  	[tilespmem:s2+$0x4DD0] =	vst v0  }
0x22: {  	[tilespmem:s2+$0x4DE0] =	vst v0  }
0x23: {  	[tilespmem:s2+$0x4DF0] =	vst v0  }
0x24: {  	[tilespmem:s2+$0x4E00] =	vst v0  }
0x25: {  	[tilespmem:s2+$0x4E10] =	vst v0  }
0x26: {  	[tilespmem:$0x9E70] =	vst v0  }
0x27: {  	[tilespmem:$0x9E80] =	vst v0  }
0x28: {  	[tilespmem:$0x9E90] =	vst v0  }
0x29: {  	[tilespmem:$0x9EA0] =	vst v0  }
0x2a: {  	[tilespmem:$0x9EB0] =	vst v0  }
0x2b: {  	[tilespmem:$0x9EC0] =	vst v0  }
0x2c: {  	[tilespmem:$0x9ED0] =	vst v0  }
0x2d: {  	[tilespmem:$0x9EE0] =	vst v0  }
0x2e: {  	[tilespmem:$0x9EF0] =	vst v0  }
0x2f: {  	[tilespmem:$0x9F00] =	vst v0  }
0x30: {  	[tilespmem:$0x9F10] =	vst v0  }
0x31: {  	[tilespmem:$0x9F20] =	vst v0  }
0x32: {  	[tilespmem:$0x9F30] =	vst v0  }
0x33: {  	[tilespmem:$0x9F40] =	vst v0  }
0x34: {  	[tilespmem:$0x9F50] =	vst v0  }
0x35: {  	[tilespmem:$0x9F60] =	vst v0  }
0x36: {  	[tilespmem:$0x9F70] =	vst v0  }
0x37: {  	[tilespmem:$0x9F80] =	vst v0  }
0x38: {  	[tilespmem:$0x9F90] =	vst v0  }
0x39: {  	[tilespmem:$0x9FA0] =	vst v0  }
0x3a: {  	[tilespmem:$0x9FB0] =	vst v0  }
0x3b: {  	[tilespmem:$0x9FC0] =	vst v0  }
0x3c: {  	[tilespmem:$0x9FD0] =	vst v0  }
0x3d: {  	[tilespmem:$0x9FE0] =	vst v0  }
0x3e: {  	[tilespmem:$0x9FF0] =	vst v0  }
0x3f: {  	[tilespmem:$0xA000] =	vst v0  }
0x40: {  	[tilespmem:$0xA010] =	vst v0  }
0x41: {  	[tilespmem:$0xA020] =	vst v0  }
0x42: {  	[tilespmem:$0xA030] =	vst v0  }
0x43: {  	[tilespmem:$0xA040] =	vst v0  }
0x44: {  	[tilespmem:$0xA050] =	vst v0  }
0x45: {  	[tilespmem:$0xA060] =	vst v0  }
0x46: {  	[tilespmem:$0xA070] =	vst v0  }
0x47: {  	[tilespmem:$0xA080] =	vst v0  }
0x48: {  	[tilespmem:$0xA090] =	vst v0  }
0x49: {  	[tilespmem:$0xA0A0] =	vst v0  }
0x4a: {  	[tilespmem:$0xA0B0] =	vst v0  }
0x4b: {  	[tilespmem:$0xA0C0] =	vst v0  }
0x4c: {  	[tilespmem:$0xA0D0] =	vst v0  }
0x4d: {  	[tilespmem:$0xA0E0] =	vst v0  }
0x4e: {  	[tilespmem:$0x9E20] =	vst v1  }
0x4f: {  	[tilespmem:$0x9E30] =	vst v1  }
0x50: {  	[tilespmem:$0x9E40] =	vst v1  }
0x51: {  	[tilespmem:$0x9E50] =	vst v1  }
0x52: {  	s0 =	simm.s32 $0x0;
	s7 =	rddreg [dreg:$0x6];
	[tilespmem:$0x9E60] =	vst v1  }
0x53: {  	[tilespmem:s0], [sflag:$0x1] =	stream.linear.gather [hbm4b:s7+s0], $0x2710, $0x38;
	[tilespmem:$0x1E370] =	vst v63  }
0x54: {  	s29 =	simm.s32 $0x2710;
	s19 =	rddreg [dreg:$0x7]  }
0x55: {  	[tilespmem:s29], [sflag:$0x1] =	stream.linear.gather [hbm4b:s19+s0], $0x2710, $0x38;
	[tilespmem:$0x1E370] =	vst v63  }
0x56: {  	_ = 	snop  }
0x57: {  	[spmem:s8] =	stream.linear.scatter [tilespmem:s18], [sflag:$0x2], $0x2800, $0x38;
	[tilespmem:$0x1E370] =	vst v63  }
0x58: {  	_ = 	snop  }
0x59: {  	[spmem:s9] =	stream.linear.scatter [tilespmem:s18], [sflag:$0x2], $0x2800, $0x38;
	[tilespmem:$0x1E370] =	vst v63  }
0x5a: {  	_ = 	snop  }
0x5b: {  	[spmem:s10] =	stream.linear.scatter [tilespmem:s18], [sflag:$0x2], $0x2800, $0x38;
	[tilespmem:$0x1E370] =	vst v63  }
0x5c: {  	_ = 	snop  }
0x5d: {  	[spmem:s11] =	stream.linear.scatter [tilespmem:s18], [sflag:$0x2], $0x2800, $0x38;
	[tilespmem:$0x1E370] =	vst v63  }
0x5e: {  	_ = 	snop  }
0x5f: {  	[spmem:s12] =	stream.linear.scatter [tilespmem:s18], [sflag:$0x2], $0x2800, $0x38;
	[tilespmem:$0x1E370] =	vst v63  }
0x60: {  	_ = 	snop  }
0x61: {  	[spmem:s13] =	stream.linear.scatter [tilespmem:s18], [sflag:$0x2], $0x2800, $0x38;
	[tilespmem:$0x1E370] =	vst v63  }
0x62: {  	_ = 	snop  }
0x63: {  	[spmem:s14] =	stream.linear.scatter [tilespmem:s18], [sflag:$0x2], $0x2800, $0x38;
	[tilespmem:$0x1E370] =	vst v63  }
0x64: {  	_ = 	snop  }
0x65: {  	[spmem:s15] =	stream.linear.scatter [tilespmem:s18], [sflag:$0x2], $0x2800, $0x38;
	[tilespmem:$0x1E370] =	vst v63  }
0x66: {  	s6 =	simm.s32 $0x9E70  }
0x67: {  	[spmem:s16] =	stream.linear.scatter [tilespmem:s6], [sflag:$0x2], $0x280, $0x38;
	[tilespmem:$0x1E370] =	vst v63  }
0x68: {  	_ =	swait.ge [sflag:s20], $0x2710  }
0x69: {  	[sflag:s20] =	ssyncset.done $0x0  }
0x6a: {  	[sflag:s20] =	ssyncadd.s32 $0xFFFFD8F0  }
0x6b: {  	_ =	swait.ge [sflag:s20], $0x2710  }
0x6c: {  	[sflag:s20] =	ssyncset.done $0x0  }
0x6d: {  	[sflag:s20] =	ssyncadd.s32 $0xFFFFD8F0  }
0x6e: {  	_ =	swait.ge [sflag:s21], $0x2800  }
0x6f: {  	[sflag:s21] =	ssyncset.done $0x0  }
0x70: {  	[sflag:s21] =	ssyncadd.s32 $0xFFFFD800  }
0x71: {  	_ =	swait.ge [sflag:s21], $0x2800  }
0x72: {  	[sflag:s21] =	ssyncset.done $0x0  }
0x73: {  	[sflag:s21] =	ssyncadd.s32 $0xFFFFD800  }
0x74: {  	_ =	swait.ge [sflag:s21], $0x2800  }
0x75: {  	[sflag:s21] =	ssyncset.done $0x0  }
0x76: {  	[sflag:s21] =	ssyncadd.s32 $0xFFFFD800  }
0x77: {  	_ =	swait.ge [sflag:s21], $0x2800  }
0x78: {  	[sflag:s21] =	ssyncset.done $0x0  }
0x79: {  	[sflag:s21] =	ssyncadd.s32 $0xFFFFD800  }
0x7a: {  	_ =	swait.ge [sflag:s21], $0x2800  }
0x7b: {  	[sflag:s21] =	ssyncset.done $0x0  }
0x7c: {  	[sflag:s21] =	ssyncadd.s32 $0xFFFFD800  }
0x7d: {  	_ =	swait.ge [sflag:s21], $0x2800  }
0x7e: {  	[sflag:s21] =	ssyncset.done $0x0  }
0x7f: {  	[sflag:s21] =	ssyncadd.s32 $0xFFFFD800  }
0x80: {  	_ =	swait.ge [sflag:s21], $0x2800  }
0x81: {  	[sflag:s21] =	ssyncset.done $0x0  }
0x82: {  	[sflag:s21] =	ssyncadd.s32 $0xFFFFD800  }
0x83: {  	_ =	swait.ge [sflag:s21], $0x2800  }
0x84: {  	[sflag:s21] =	ssyncset.done $0x0  }
0x85: {  	[sflag:s21] =	ssyncadd.s32 $0xFFFFD800  }
0x86: {  	_ =	swait.ge [sflag:s21], $0x280  }
0x87: {  	[sflag:s21] =	ssyncset.done $0x0  }
0x88: {  	[sflag:s21] =	ssyncadd.s32 $0xFFFFFD80  }
0x89: {  	s7 =	simm.s32 $0x50;
	[bflag:$0x0] =	sbarrier.arrive $0xFFFF  }
0x8a: {  	[tilespmem:s18], [sflag:$0x1] =	stream.indirect.gather [hbm4b:s1+s7], $0x80, s0, s7, $0xb8;
	[tilespmem:$0x1E370] =	vst v63  }
0x8b: {  	s0 =	sand.u32 $0x1, s0  }
0x8c: {  	s30 =	sxor.u32 $0x1, s0  }
0x8d: {  	s30 =	smul.u32 $0xA000, s30  }
0x8e: {  	_ =	swait.ge [sflag:s20], $0x2800;
	s0 =	smul.u32 $0xA000, s0  }
0x8f: {  	s19 =	simm.s32 $0x1;
	[sflag:s20] =	ssyncset.done $0x0;
	s30 =	sshrl.u32 s30, $0x2  }
0x90: {  	[sflag:s20] =	ssyncadd.s32 $0xFFFFD800;
	s0 =	sshrl.u32 s0, $0x2;
	s30 =	sadd.s32 $0x4E20, s30  }
0x91: {  	[tilespmem:s30], [sflag:$0x1] =	stream.indirect.gather [hbm4b:s1+s23], $0x80, s7, s23, $0xb8;
	[tilespmem:$0x1E370] =	vst v63  }
0x92: {  	s31 =	simm.s32 $0xA0;
	s2 =	sand.u32 $0x1, s19;
	s0 =	sadd.s32 $0x4E20, s0  }
0x93: {  	[spmem:s3] =	stream.indirect.scatter.add.f32 [tilespmem:s0], [sflag:$0x3], $0x80, s29, s23, $0xb8;
	[tilespmem:$0x1E370] =	vst v63  }
0x94: {  	s30 =	simm.s32 $0x2760;
	s0 =	simm.s32 $0x2;
	_ =	swait.ge [sflag:s25], $0x2800  }
.LBB2_4:
0x95: {  	s19 =	sxor.u32 $0x1, s2  }
0x96: {  	[sflag:s25] =	ssyncset.done $0x0;
	s6 =	smov.u32 s0;
	s7 =	sadd.s32 $0x1, s0  }
0x97: {  	p0 =	sne.s32 s0, $0x7B;
	s0 =	smul.u32 $0xA000, s19;
	[sflag:s25] =	ssyncadd.s32 $0xFFFFD800  }
0x98: {  	[spmem:s4] =	stream.indirect.scatter.add.f32 [tilespmem:s26], [sflag:$0x2], $0x1, s29, s23, $0xb8;
	[tilespmem:$0x1E370] =	vst v63  }
0x99: {  	s29 =	smov.u32 s30;
	_ =	swait.ge [sflag:s20], $0x2800;
	s0 =	sshrl.u32 s0, $0x2  }
0x9a: {  	s2 =	smul.u32 $0xA000, s2;
	[sflag:s20] =	ssyncset.done $0x0;
	s0 =	sadd.s32 $0x4E20, s0  }
0x9b: {  	[sflag:s20] =	ssyncadd.s32 $0xFFFFD800  }
0x9c: {  	[tilespmem:s0], [sflag:$0x1] =	stream.indirect.gather [hbm4b:s1+s23], $0x80, s31, s23, $0xb8;
	[tilespmem:$0x1E370] =	vst v63  }
.Ltmp1:
0x9d: {  	_ = 	snop;
	(pc) =	sbr.rel @p0 .LBB2_4-.Ltmp1, $4  }
0x9e: {  	s0 =	sshrl.u32 s2, $0x2  }
0x9f: {  	s31 =	sadd.s32 $0x50, s31;
	s2 =	sand.u32 $0x1, s6;
	s0 =	sadd.s32 $0x4E20, s0  }
0xa0: {  	[spmem:s3] =	stream.indirect.scatter.add.f32 [tilespmem:s0], [sflag:$0x3], $0x80, s30, s23, $0xb8;
	[tilespmem:$0x1E370] =	vst v63  }
0xa1: {  	s30 =	sadd.s32 $0x50, s30;
	s0 =	smov.u32 s7;
	_ =	swait.ge [sflag:s25], $0x2800  }
0xa2: {  	s0 =	sxor.u32 $0x1, s2;
	[sflag:s25] =	ssyncset.done $0x0  }
0xa3: {  	s0 =	smul.u32 $0xA000, s0;
	[sflag:s25] =	ssyncadd.s32 $0xFFFFD800  }
0xa4: {  	[spmem:s4] =	stream.indirect.scatter.add.f32 [tilespmem:s26], [sflag:$0x2], $0x1, s29, s23, $0xb8;
	[tilespmem:$0x1E370] =	vst v63  }
0xa5: {  	_ =	swait.ge [sflag:s20], $0x2800  }
0xa6: {  	s0 =	sshrl.u32 s0, $0x2;
	[sflag:s20] =	ssyncset.done $0x0  }
0xa7: {  	s29 =	smul.u32 $0xA000, s2;
	s0 =	sadd.s32 $0x4E20, s0;
	[sflag:s20] =	ssyncadd.s32 $0xFFFFD800  }
0xa8: {  	[tilespmem:s0], [sflag:$0x1] =	stream.indirect.gather [hbm4b:s1+s23], $0x80, s31, s23, $0xb8;
	[tilespmem:$0x1E370] =	vst v63  }
0xa9: {  	s31 =	sshrl.u32 s29, $0x2  }
0xaa: {  	s0 =	sadd.s32 $0x4E20, s31  }
0xab: {  	[spmem:s3] =	stream.indirect.scatter.add.f32 [tilespmem:s0], [sflag:$0x3], $0x80, s30, s23, $0xb8;
	[tilespmem:$0x1E370] =	vst v63  }
0xac: {  	_ =	swait.ge [sflag:s25], $0x2800  }
0xad: {  	[sflag:s25] =	ssyncset.done $0x0  }
0xae: {  	[sflag:s25] =	ssyncadd.s32 $0xFFFFD800  }
0xaf: {  	[spmem:s4] =	stream.indirect.scatter.add.f32 [tilespmem:s26], [sflag:$0x2], $0x1, s30, s23, $0xb8;
	[tilespmem:$0x1E370] =	vst v63  }
0xb0: {  	_ =	swait.ge [sflag:s20], $0x2800  }
0xb1: {  	[sflag:s20] =	ssyncset.done $0x0  }
0xb2: {  	[sflag:s20] =	ssyncadd.s32 $0xFFFFD800  }
0xb3: {  	[spmem:s3] =	stream.indirect.scatter.add.f32 [tilespmem:s18], [sflag:$0x3], $0x80, s28, s23, $0xb8;
	[tilespmem:$0x1E370] =	vst v63  }
0xb4: {  	_ =	swait.ge [sflag:s25], $0x2800  }
0xb5: {  	[sflag:s25] =	ssyncset.done $0x0  }
0xb6: {  	[sflag:s25] =	ssyncadd.s32 $0xFFFFD800  }
0xb7: {  	[spmem:s4] =	stream.indirect.scatter.add.f32 [tilespmem:s26], [sflag:$0x2], $0x1, s28, s23, $0xb8;
	[tilespmem:$0x1E370] =	vst v63  }
0xb8: {  	_ =	swait.ge [sflag:s21], $0x50  }
0xb9: {  	s2 =	simm.s32 $0x7C;
	[sflag:s21] =	ssyncset.done $0x0  }
.LBB2_6:
0xba: {  	p0 =	sne.s32 s2, $0x1;
	s2 =	sadd.s32 $0xFFFFFFFF, s2;
	[sflag:s21] =	ssyncadd.s32 $0xFFFFFFB0  }
.Ltmp2:
0xbb: {  	(pc) =	sbr.rel @p0 .LBB2_6-.Ltmp2, $3  }
0xbc: {  	_ =	sdelay $0x1  }
0xbd: {  	_ =	swait.ge [sflag:s21], $0x50  }
0xbe: {  	[sflag:s21] =	ssyncset.done $0x0  }
0xbf: {  	[sflag:s21] =	ssyncadd.s32 $0xFFFFFFB0;
	s0 =	stileid.u32;
	s6 =	sshrl.u32 s8, $0x3  }
0xc0: {  	s31 =	sshrl.u32 s16, $0x3;
	s5 =	sadd.s32 $0x1, s5;
	s0 =	sshll.u32 s0, $0x6  }
0xc1: {  	[bflag:$0x0] =	sbarrier.arrive $0xFFFF;
	s2 =	sor.u32 $0x1C01, s0;
	s0 =	sor.u32 $0x1C02, s0  }
0xc2: {  	[hbm:s22], [sflag:s2] =	dma.local [spmem:s6], $0x2800  }
0xc3: {  	[hbm:s24], [sflag:s0] =	dma.local [spmem:s31], $0x50  }
0xc4: {  	p0 =	sne.s32 s5, s17;
	_ =	swait.ge [sflag:s20], $0x2800  }
.Ltmp3:
0xc5: {  	[sflag:s20] =	ssyncset.done $0x0;
	(pc) =	sbr.rel @p0 .LBB2_1-.Ltmp3, $4  }
0xc6: {  	[sflag:s20] =	ssyncadd.s32 $0xFFFFD800  }
0xc7: {  	_ =	swait.ge [sflag:s21], $0x50  }
0xc8: {  	[sflag:s21] =	ssyncset.done $0x0  }
0xc9: {  	[sflag:s21] =	ssyncadd.s32 $0xFFFFFFB0  }
0xca: {  	_ =	sfence.sel $0x180000  }
0xcb: {  	[bflag:$0x0] =	sbarrier.arrive $0xFFFF  }
0xcc: {  	_ =	strace $0x90000047  }
0xcd: {  	s0 =	stileid.u32;
	[bflag:$0x2] =	sbarrier.arrive $0xFFFF  }
0xce: {  	p0 =	sne.s32 s0, $0x0;
	s0 =	rddreg [dreg:$0x5]  }
0xcf: {  	s0 =	sadd.s32 @!p0 $0x100000, s0  }
0xd0: {  	[sflag:s0] =	ssyncadd.tile.s32 @!p0 $0x1;
	_ =	shalt  }
.Lfunc_end2:
_tile_overlayer_lowered:
.L_overlay_start_2:
0xd1: {  	(tag) =	ssettag $0x2  }
0xd2: {  	s0 =	rddreg [dreg:$0x0];
	s2 =	stileid.u32  }
0xd3: {  	s1 =	rddreg [dreg:$0x1];
	p0 =	sne.s32 s2, $0x0  }
0xd4: {  	s3 =	rddreg [dreg:$0x2];
	[bflag:$0x3] =	sbarrier.arrive $0xFFFF;
	s2 =	simm.s32 @!p0 $0x1C03  }
0xd5: {  	[timem:s3], [sflag:s2] =	dma.local @!p0 [hbm:s0], s1  }
0xd6: {  	s0 =	simm.s32 @!p0 $0x3  }
0xd7: {  	_ =	swait.ge @!p0 [sflag:s0], s1  }
0xd8: {  	s1 =	ssub.s32 @!p0 $0x0, s1;
	[sflag:s0] =	ssyncset.done @!p0 $0x0  }
0xd9: {  	[sflag:s0] =	ssyncadd.s32 @!p0 s1  }
0xda: {  	[bflag:$0x3] =	sbarrier.arrive $0xFFFF  }
0xdb: {  	_ =	shalt  }

</sc_bundles>
